<compile_context>
chip_gen: v7x
topology: tpu7x:2x2x1
jax: 0.10.2.dev20260603
libtpu: 0.0.44.dev20260713+nightly
codegen_flags: <defaults>
</compile_context>

<pallas_src>
import functools

import jax
import jax.numpy as jnp
from jax import lax
from jax.experimental import pallas as pl
from jax.experimental.pallas import tpu as pltpu
from jax.experimental.pallas import tpu_sc as plsc

_BINS = 2048
_BINSP = 2056
_NC, _NS, _L = 2, 16, 16
_NW = _NC * _NS
_N = 33554432
_PER_W = _N // _NW
_CHUNK = 32768
_NPAIR = _PER_W // (2 * _CHUNK)


_mesh = plsc.VectorSubcoreMesh(core_axis_name="c", subcore_axis_name="s")

_HALF = _CHUNK // 2


def _issue(x_hbm, buf, off, sem):
    pltpu.async_copy(x_hbm.at[pl.ds(off, _HALF)],
                     buf.at[pl.ds(0, _HALF)], sem)
    pltpu.async_copy(x_hbm.at[pl.ds(off + _HALF, _HALF)],
                     buf.at[pl.ds(_HALF, _HALF)], sem)


@functools.partial(
    pl.kernel,
    mesh=_mesh,
    compiler_params=pltpu.CompilerParams(needs_layout_passes=False),
    out_type=jax.ShapeDtypeStruct((2 * _NW * _L,), jnp.float32),
    scratch_types=[
        pltpu.VMEM((_CHUNK,), jnp.float32),
        pltpu.VMEM((_CHUNK,), jnp.float32),
        pltpu.VMEM((2 * _L,), jnp.float32),
        pltpu.SemaphoreType.DMA,
        pltpu.SemaphoreType.DMA,
    ],
)
def _minmax_k(x_hbm, out_hbm, buf0, buf1, res_v, sem0, sem1):
    wid = lax.axis_index("s") * _NC + lax.axis_index("c")
    base = wid * _PER_W

    def scan_buf(buf, carry):
        def body(i, c):
            c = list(c)
            for u in range(8):
                v = buf[pl.ds(i * (8 * _L) + u * _L, _L)]
                mn, mx = c[u % 4]
                c[u % 4] = (jnp.minimum(mn, v), jnp.maximum(mx, v))
            return tuple(c)
        return lax.fori_loop(0, _CHUNK // (8 * _L), body, carry)

    _issue(x_hbm, buf0, base, sem0)

    def outer(j, carry):
        b = base + 2 * j * _CHUNK
        _issue(x_hbm, buf1, b + _CHUNK, sem1)
        pltpu.make_async_copy(x_hbm.at[pl.ds(b, _CHUNK)], buf0, sem0).wait()
        carry = scan_buf(buf0, carry)

        @pl.when(j < _NPAIR - 1)
        def _():
            _issue(x_hbm, buf0, b + 2 * _CHUNK, sem0)

        pltpu.make_async_copy(
            x_hbm.at[pl.ds(b + _CHUNK, _CHUNK)], buf1, sem1).wait()
        carry = scan_buf(buf1, carry)
        return carry

    init = tuple((jnp.full((_L,), jnp.inf, jnp.float32),
                  jnp.full((_L,), -jnp.inf, jnp.float32)) for _ in range(4))
    acc = lax.fori_loop(0, _NPAIR, outer, init)
    mn = jnp.minimum(jnp.minimum(acc[0][0], acc[1][0]),
                     jnp.minimum(acc[2][0], acc[3][0]))
    mx = jnp.maximum(jnp.maximum(acc[0][1], acc[1][1]),
                     jnp.maximum(acc[2][1], acc[3][1]))
    res_v[pl.ds(0, _L)] = mn
    res_v[pl.ds(_L, _L)] = mx
    pltpu.sync_copy(res_v.at[pl.ds(0, _L)], out_hbm.at[pl.ds(wid * _L, _L)])
    pltpu.sync_copy(res_v.at[pl.ds(_L, _L)],
                    out_hbm.at[pl.ds((_NW + wid) * _L, _L)])


@functools.partial(
    pl.kernel,
    mesh=_mesh,
    compiler_params=pltpu.CompilerParams(needs_layout_passes=False),
    out_type=(jax.ShapeDtypeStruct((_NW, _BINSP * _L), jnp.float32),
              jax.ShapeDtypeStruct((_L,), jnp.float32)),
    scratch_types=[
        pltpu.VMEM((_CHUNK,), jnp.float32),
        pltpu.VMEM((_CHUNK,), jnp.float32),
        pltpu.VMEM((_BINSP * _L,), jnp.float32),
        pltpu.VMEM((2 * _NW * _L,), jnp.float32),
        pltpu.SemaphoreType.DMA,
        pltpu.SemaphoreType.DMA,
    ],
)
def _hist_k(x_hbm, part_hbm, out_hbm, mm_hbm, buf0, buf1, hist16, part_v,
            sem0, sem1):
    wid = lax.axis_index("s") * _NC + lax.axis_index("c")
    base = wid * _PER_W

    _issue(x_hbm, buf0, base, sem0)

    pltpu.sync_copy(part_hbm, part_v)

    def mmred(i, c):
        mn, mx = c
        return (jnp.minimum(mn, part_v[pl.ds(i * _L, _L)]),
                jnp.maximum(mx, part_v[pl.ds((_NW + i) * _L, _L)]))
    mn16, mx16 = lax.fori_loop(
        0, _NW, mmred,
        (jnp.full((_L,), jnp.inf, jnp.float32),
         jnp.full((_L,), -jnp.inf, jnp.float32)))
    onev = jnp.full((_L,), 1.0, jnp.float32)
    mnv = onev * jnp.min(mn16)
    mxv = onev * jnp.max(mx16)
    bwv = (mxv - mnv) / jnp.float32(_BINS)
    wv = jnp.where(bwv == 0.0, onev, bwv)
    r16v = jnp.float32(16.0) / wv
    magicv = jnp.full((_L,), 2.0**23, jnp.float32) - mnv * r16v
    lane = lax.iota(jnp.int32, _L)
    ones = jnp.full((_L,), 1.0, jnp.float32)
    zeros = jnp.zeros((_L,), jnp.float32)

    def zero_body(i, _):
        for u in range(8):
            hist16[pl.ds(i * (8 * _L) + u * _L, _L)] = zeros
        return 0
    lax.fori_loop(0, _L * _BINSP // (8 * _L), zero_body, 0)

    def scan_buf(buf, carry):
        @plsc.parallel_loop(0, _CHUNK // _L, unroll=8)
        def _(i):
            v = buf[pl.ds(i * _L, _L)]
            bits = plsc.bitcast(v * r16v + magicv, jnp.int32)
            addr = jnp.bitwise_and(bits, 0x7FFFF0) | lane
            plsc.addupdate_scatter(hist16, [addr], ones)
        return carry

    def outer(j, carry):
        b = base + 2 * j * _CHUNK
        _issue(x_hbm, buf1, b + _CHUNK, sem1)
        pltpu.make_async_copy(x_hbm.at[pl.ds(b, _CHUNK)], buf0, sem0).wait()
        carry = scan_buf(buf0, carry)

        @pl.when(j < _NPAIR - 1)
        def _():
            _issue(x_hbm, buf0, b + 2 * _CHUNK, sem0)

        pltpu.make_async_copy(
            x_hbm.at[pl.ds(b + _CHUNK, _CHUNK)], buf1, sem1).wait()
        carry = scan_buf(buf1, carry)
        return carry

    lax.fori_loop(0, _NPAIR, outer, 0)
    pltpu.sync_copy(hist16, out_hbm.at[wid])

    @pl.when(wid == 0)
    def _():
        part_v[pl.ds(0, _L)] = jnp.where(lane == 0, mnv, mxv)
        pltpu.sync_copy(part_v.at[pl.ds(0, _L)], mm_hbm)


def kernel(x):
    part = _minmax_k(x)
    parts, mm = _hist_k(x, part)
    histp = jnp.sum(parts.reshape(_NW, _BINSP, _L), axis=(0, 2))
    hist = histp[:_BINS].at[_BINS - 1].add(histp[_BINS])
    return jnp.concatenate([mm[:2], hist])

# --- scband reference (transcript-rebuilt; emitter-appended) ---
"""Pipeline reference for scband-histogram-observer-46892452937842 (READ-ONLY COPY).

The authoritative reference and input builder live on the scoring server;
editing this copy changes nothing except your own understanding.
"""

import jax, jax.numpy as jnp
import numpy as np

BINS = 2048


def setup_inputs(seed: int = 0) -> dict:
    key = jax.random.key(seed)
    x = jax.random.normal(key, (33554432,), dtype=jnp.float32)
    return {"x": x}


def reference(x):
    # Faithful JAX translation of HistogramObserver.forward on the first call
    # (min_val/max_val/histogram are None): record min, max, and histc(x, bins).
    min_val = jnp.min(x)
    max_val = jnp.max(x)
    bin_width = (max_val - min_val) / BINS
    # Guard against degenerate range (all-equal tensor), matching torch.histc
    # behavior of not crashing; with randn inputs this branch is never taken.
    safe_w = jnp.where(bin_width == 0, jnp.float32(1.0), bin_width)
    idx = jnp.clip(jnp.floor((x - min_val) / safe_w).astype(jnp.int32), 0, BINS - 1)
    hist = jnp.bincount(idx, length=BINS).astype(jnp.float32)
    # Pack observer state (min_val, max_val, histogram) into one array:
    # out[0]=min, out[1]=max, out[2:]=histogram counts.
    return jnp.concatenate([jnp.stack([min_val, max_val]), hist])

if __name__ == "__main__":
    import jax
    _d = setup_inputs()
    print(jax.jit(kernel)(*tuple(_d.values())))

</pallas_src>

<mosaic_0001>
#map = affine_map<(d0, d1) -> (0)>
module attributes {stable_mosaic.version = 14 : i64} {
  func.func @_minmax_k(%arg0: i32, %arg1: i32, %arg2: memref<33554432xf32, #tpu.memory_space<hbm>>, %arg3: memref<1024xf32, #tpu.memory_space<hbm>>, %arg4: memref<32768xf32, #tpu.memory_space<vmem>>, %arg5: memref<32768xf32, #tpu.memory_space<vmem>>, %arg6: memref<32xf32, #tpu.memory_space<vmem>>, %arg7: memref<!tpu.dma_semaphore, #tpu.memory_space<semaphore_mem>>, %arg8: memref<!tpu.dma_semaphore, #tpu.memory_space<semaphore_mem>>) attributes {dimension_semantics = [#tpu.dimension_semantics<core_parallel>, #tpu.dimension_semantics<subcore_parallel>], iteration_bounds = array<i64: 2, 16>, scalar_prefetch = 0 : i64, scratch_operands = 5 : i64, tpu.core_type = #tpu.core_type<sc_vector_subcore>, window_params = [{transform_indices = #map}, {transform_indices = #map}]} {
    %mul3A = arith.constant 2 : i32
    %mul3A_0 = arith.muli %arg1, %mul3A : i32
    %add3A = arith.addi %mul3A_0, %arg0 : i32
    %mul3A_1 = arith.constant 1048576 : i32
    %mul3A_2 = arith.muli %add3A, %mul3A_1 : i32
    %dma_start3A = arith.constant 0 : i32
    %dma_start3A_3 = tpu.memref_slice %arg4[%dma_start3A] : memref<32768xf32, #tpu.memory_space<vmem>> -> memref<16384xf32, #tpu.memory_space<vmem>>
    %dma_start3A_4 = tpu.memref_slice %arg2[%mul3A_2] : memref<33554432xf32, #tpu.memory_space<hbm>> -> memref<16384xf32, #tpu.memory_space<hbm>>
    %dma_start3A_5 = arith.constant 0 : i32
    %dma_start3A_6 = tpu.memref_slice %arg4[%dma_start3A_5] : memref<32768xf32, #tpu.memory_space<vmem>> -> memref<16384xf32, #tpu.memory_space<vmem>>
    %dma_start3A_7 = tpu.memref_slice %arg2[%mul3A_2] : memref<33554432xf32, #tpu.memory_space<hbm>> -> memref<16384xf32, #tpu.memory_space<hbm>>
    tpu.enqueue_dma source(%dma_start3A_7 : memref<16384xf32, #tpu.memory_space<hbm>>) target(%dma_start3A_6 : memref<16384xf32, #tpu.memory_space<vmem>>) target_semaphore(%arg7 : memref<!tpu.dma_semaphore, #tpu.memory_space<semaphore_mem>>)
    %add3A_8 = arith.constant 16384 : i32
    %add3A_9 = arith.addi %mul3A_2, %add3A_8 : i32
    %dma_start3A_10 = arith.constant 16384 : i32
    %dma_start3A_11 = tpu.memref_slice %arg4[%dma_start3A_10] : memref<32768xf32, #tpu.memory_space<vmem>> -> memref<16384xf32, #tpu.memory_space<vmem>>
    %dma_start3A_12 = tpu.memref_slice %arg2[%add3A_9] : memref<33554432xf32, #tpu.memory_space<hbm>> -> memref<16384xf32, #tpu.memory_space<hbm>>
    %dma_start3A_13 = arith.constant 16384 : i32
    %dma_start3A_14 = tpu.memref_slice %arg4[%dma_start3A_13] : memref<32768xf32, #tpu.memory_space<vmem>> -> memref<16384xf32, #tpu.memory_space<vmem>>
    %dma_start3A_15 = tpu.memref_slice %arg2[%add3A_9] : memref<33554432xf32, #tpu.memory_space<hbm>> -> memref<16384xf32, #tpu.memory_space<hbm>>
    tpu.enqueue_dma source(%dma_start3A_15 : memref<16384xf32, #tpu.memory_space<hbm>>) target(%dma_start3A_14 : memref<16384xf32, #tpu.memory_space<vmem>>) target_semaphore(%arg7 : memref<!tpu.dma_semaphore, #tpu.memory_space<semaphore_mem>>)
    %broadcast_in_dim3A = arith.constant 0x7F800000 : f32
    %broadcast_in_dim3A_16 = vector.broadcast %broadcast_in_dim3A : f32 to vector<16xf32>
    %broadcast_in_dim3A_17 = arith.constant 0xFF800000 : f32
    %broadcast_in_dim3A_18 = vector.broadcast %broadcast_in_dim3A_17 : f32 to vector<16xf32>
    %broadcast_in_dim3A_19 = arith.constant 0x7F800000 : f32
    %broadcast_in_dim3A_20 = vector.broadcast %broadcast_in_dim3A_19 : f32 to vector<16xf32>
    %broadcast_in_dim3A_21 = arith.constant 0xFF800000 : f32
    %broadcast_in_dim3A_22 = vector.broadcast %broadcast_in_dim3A_21 : f32 to vector<16xf32>
    %broadcast_in_dim3A_23 = arith.constant 0x7F800000 : f32
    %broadcast_in_dim3A_24 = vector.broadcast %broadcast_in_dim3A_23 : f32 to vector<16xf32>
    %broadcast_in_dim3A_25 = arith.constant 0xFF800000 : f32
    %broadcast_in_dim3A_26 = vector.broadcast %broadcast_in_dim3A_25 : f32 to vector<16xf32>
    %broadcast_in_dim3A_27 = arith.constant 0x7F800000 : f32
    %broadcast_in_dim3A_28 = vector.broadcast %broadcast_in_dim3A_27 : f32 to vector<16xf32>
    %broadcast_in_dim3A_29 = arith.constant 0xFF800000 : f32
    %broadcast_in_dim3A_30 = vector.broadcast %broadcast_in_dim3A_29 : f32 to vector<16xf32>
    %scan3A = arith.constant 0 : i32
    %scan3A_31 = arith.constant 16 : i32
    %scan3A_32 = arith.addi %scan3A, %scan3A_31 : i32
    %scan3A_33 = arith.constant 1 : i32
    %scan3A_34:8 = scf.for %scan3A_49 = %scan3A to %scan3A_32 step %scan3A_33 iter_args(%scan3A_50 = %broadcast_in_dim3A_16, %scan3A_51 = %broadcast_in_dim3A_18, %scan3A_52 = %broadcast_in_dim3A_20, %scan3A_53 = %broadcast_in_dim3A_22, %scan3A_54 = %broadcast_in_dim3A_24, %scan3A_55 = %broadcast_in_dim3A_26, %scan3A_56 = %broadcast_in_dim3A_28, %scan3A_57 = %broadcast_in_dim3A_30) -> (vector<16xf32>, vector<16xf32>, vector<16xf32>, vector<16xf32>, vector<16xf32>, vector<16xf32>, vector<16xf32>, vector<16xf32>)  : i32 {
      %mul3A_58 = arith.constant 2 : i32
      %mul3A_59 = arith.muli %mul3A_58, %scan3A_49 : i32
      %mul3A_60 = arith.constant 32768 : i32
      %mul3A_61 = arith.muli %mul3A_59, %mul3A_60 : i32
      %add3A_62 = arith.addi %mul3A_2, %mul3A_61 : i32
      %add3A_63 = arith.constant 32768 : i32
      %add3A_64 = arith.addi %add3A_62, %add3A_63 : i32
      %dma_start3A_65 = arith.constant 0 : i32
      %dma_start3A_66 = tpu.memref_slice %arg5[%dma_start3A_65] : memref<32768xf32, #tpu.memory_space<vmem>> -> memref<16384xf32, #tpu.memory_space<vmem>>
      %dma_start3A_67 = tpu.memref_slice %arg2[%add3A_64] : memref<33554432xf32, #tpu.memory_space<hbm>> -> memref<16384xf32, #tpu.memory_space<hbm>>
      %dma_start3A_68 = arith.constant 0 : i32
      %dma_start3A_69 = tpu.memref_slice %arg5[%dma_start3A_68] : memref<32768xf32, #tpu.memory_space<vmem>> -> memref<16384xf32, #tpu.memory_space<vmem>>
      %dma_start3A_70 = tpu.memref_slice %arg2[%add3A_64] : memref<33554432xf32, #tpu.memory_space<hbm>> -> memref<16384xf32, #tpu.memory_space<hbm>>
      tpu.enqueue_dma source(%dma_start3A_70 : memref<16384xf32, #tpu.memory_space<hbm>>) target(%dma_start3A_69 : memref<16384xf32, #tpu.memory_space<vmem>>) target_semaphore(%arg8 : memref<!tpu.dma_semaphore, #tpu.memory_space<semaphore_mem>>)
      %add3A_71 = arith.constant 16384 : i32
      %add3A_72 = arith.addi %add3A_64, %add3A_71 : i32
      %dma_start3A_73 = arith.constant 16384 : i32
      %dma_start3A_74 = tpu.memref_slice %arg5[%dma_start3A_73] : memref<32768xf32, #tpu.memory_space<vmem>> -> memref<16384xf32, #tpu.memory_space<vmem>>
      %dma_start3A_75 = tpu.memref_slice %arg2[%add3A_72] : memref<33554432xf32, #tpu.memory_space<hbm>> -> memref<16384xf32, #tpu.memory_space<hbm>>
      %dma_start3A_76 = arith.constant 16384 : i32
      %dma_start3A_77 = tpu.memref_slice %arg5[%dma_start3A_76] : memref<32768xf32, #tpu.memory_space<vmem>> -> memref<16384xf32, #tpu.memory_space<vmem>>
      %dma_start3A_78 = tpu.memref_slice %arg2[%add3A_72] : memref<33554432xf32, #tpu.memory_space<hbm>> -> memref<16384xf32, #tpu.memory_space<hbm>>
      tpu.enqueue_dma source(%dma_start3A_78 : memref<16384xf32, #tpu.memory_space<hbm>>) target(%dma_start3A_77 : memref<16384xf32, #tpu.memory_space<vmem>>) target_semaphore(%arg8 : memref<!tpu.dma_semaphore, #tpu.memory_space<semaphore_mem>>)
      %dma_wait3A = tpu.memref_slice %arg2[%add3A_62] : memref<33554432xf32, #tpu.memory_space<hbm>> -> memref<32768xf32, #tpu.memory_space<hbm>>
      %dma_wait3A_79 = tpu.memref_slice %arg2[%add3A_62] : memref<33554432xf32, #tpu.memory_space<hbm>> -> memref<32768xf32, #tpu.memory_space<hbm>>
      tpu.wait_dma2 semaphore(%arg7 : memref<!tpu.dma_semaphore, #tpu.memory_space<semaphore_mem>>) src(%dma_wait3A_79 : memref<32768xf32, #tpu.memory_space<hbm>>) dst(%arg4 : memref<32768xf32, #tpu.memory_space<vmem>>)
      %scan3A_80 = arith.constant 0 : i32
      %scan3A_81 = arith.constant 256 : i32
      %scan3A_82 = arith.addi %scan3A_80, %scan3A_81 : i32
      %scan3A_83 = arith.constant 1 : i32
      %scan3A_84:8 = scf.for %scan3A_98 = %scan3A_80 to %scan3A_82 step %scan3A_83 iter_args(%scan3A_99 = %scan3A_50, %scan3A_100 = %scan3A_51, %scan3A_101 = %scan3A_52, %scan3A_102 = %scan3A_53, %scan3A_103 = %scan3A_54, %scan3A_104 = %scan3A_55, %scan3A_105 = %scan3A_56, %scan3A_106 = %scan3A_57) -> (vector<16xf32>, vector<16xf32>, vector<16xf32>, vector<16xf32>, vector<16xf32>, vector<16xf32>, vector<16xf32>, vector<16xf32>)  : i32 {
        %mul3A_107 = arith.constant 128 : i32
        %mul3A_108 = arith.muli %scan3A_98, %mul3A_107 : i32
        %add3A_109 = arith.constant 0 : i32
        %add3A_110 = arith.addi %mul3A_108, %add3A_109 : i32
        %get3A = arith.index_cast %add3A_110 : i32 to index
        %get3A_111 = tpu.vector_load %arg4[%get3A] {strides = array<i32>} : memref<32768xf32, #tpu.memory_space<vmem>>, vector<16xf32>,
        %min3A_112 = arith.minimumf %scan3A_99, %get3A_111 : vector<16xf32>
        %max3A_113 = arith.maximumf %scan3A_100, %get3A_111 : vector<16xf32>
        %mul3A_114 = arith.constant 128 : i32
        %mul3A_115 = arith.muli %scan3A_98, %mul3A_114 : i32
        %add3A_116 = arith.constant 16 : i32
        %add3A_117 = arith.addi %mul3A_115, %add3A_116 : i32
        %get3A_118 = arith.index_cast %add3A_117 : i32 to index
        %get3A_119 = tpu.vector_load %arg4[%get3A_118] {strides = array<i32>} : memref<32768xf32, #tpu.memory_space<vmem>>, vector<16xf32>,
        %min3A_120 = arith.minimumf %scan3A_101, %get3A_119 : vector<16xf32>
        %max3A_121 = arith.maximumf %scan3A_102, %get3A_119 : vector<16xf32>
        %mul3A_122 = arith.constant 128 : i32
        %mul3A_123 = arith.muli %scan3A_98, %mul3A_122 : i32
        %add3A_124 = arith.constant 32 : i32
        %add3A_125 = arith.addi %mul3A_123, %add3A_124 : i32
        %get3A_126 = arith.index_cast %add3A_125 : i32 to index
        %get3A_127 = tpu.vector_load %arg4[%get3A_126] {strides = array<i32>} : memref<32768xf32, #tpu.memory_space<vmem>>, vector<16xf32>,
        %min3A_128 = arith.minimumf %scan3A_103, %get3A_127 : vector<16xf32>
        %max3A_129 = arith.maximumf %scan3A_104, %get3A_127 : vector<16xf32>
        %mul3A_130 = arith.constant 128 : i32
        %mul3A_131 = arith.muli %scan3A_98, %mul3A_130 : i32
        %add3A_132 = arith.constant 48 : i32
        %add3A_133 = arith.addi %mul3A_131, %add3A_132 : i32
        %get3A_134 = arith.index_cast %add3A_133 : i32 to index
        %get3A_135 = tpu.vector_load %arg4[%get3A_134] {strides = array<i32>} : memref<32768xf32, #tpu.memory_space<vmem>>, vector<16xf32>,
        %min3A_136 = arith.minimumf %scan3A_105, %get3A_135 : vector<16xf32>
        %max3A_137 = arith.maximumf %scan3A_106, %get3A_135 : vector<16xf32>
        %mul3A_138 = arith.constant 128 : i32
        %mul3A_139 = arith.muli %scan3A_98, %mul3A_138 : i32
        %add3A_140 = arith.constant 64 : i32
        %add3A_141 = arith.addi %mul3A_139, %add3A_140 : i32
        %get3A_142 = arith.index_cast %add3A_141 : i32 to index
        %get3A_143 = tpu.vector_load %arg4[%get3A_142] {strides = array<i32>} : memref<32768xf32, #tpu.memory_space<vmem>>, vector<16xf32>,
        %min3A_144 = arith.minimumf %min3A_112, %get3A_143 : vector<16xf32>
        %max3A_145 = arith.maximumf %max3A_113, %get3A_143 : vector<16xf32>
        %mul3A_146 = arith.constant 128 : i32
        %mul3A_147 = arith.muli %scan3A_98, %mul3A_146 : i32
        %add3A_148 = arith.constant 80 : i32
        %add3A_149 = arith.addi %mul3A_147, %add3A_148 : i32
        %get3A_150 = arith.index_cast %add3A_149 : i32 to index
        %get3A_151 = tpu.vector_load %arg4[%get3A_150] {strides = array<i32>} : memref<32768xf32, #tpu.memory_space<vmem>>, vector<16xf32>,
        %min3A_152 = arith.minimumf %min3A_120, %get3A_151 : vector<16xf32>
        %max3A_153 = arith.maximumf %max3A_121, %get3A_151 : vector<16xf32>
        %mul3A_154 = arith.constant 128 : i32
        %mul3A_155 = arith.muli %scan3A_98, %mul3A_154 : i32
        %add3A_156 = arith.constant 96 : i32
        %add3A_157 = arith.addi %mul3A_155, %add3A_156 : i32
        %get3A_158 = arith.index_cast %add3A_157 : i32 to index
        %get3A_159 = tpu.vector_load %arg4[%get3A_158] {strides = array<i32>} : memref<32768xf32, #tpu.memory_space<vmem>>, vector<16xf32>,
        %min3A_160 = arith.minimumf %min3A_128, %get3A_159 : vector<16xf32>
        %max3A_161 = arith.maximumf %max3A_129, %get3A_159 : vector<16xf32>
        %mul3A_162 = arith.constant 128 : i32
        %mul3A_163 = arith.muli %scan3A_98, %mul3A_162 : i32
        %add3A_164 = arith.constant 112 : i32
        %add3A_165 = arith.addi %mul3A_163, %add3A_164 : i32
        %get3A_166 = arith.index_cast %add3A_165 : i32 to index
        %get3A_167 = tpu.vector_load %arg4[%get3A_166] {strides = array<i32>} : memref<32768xf32, #tpu.memory_space<vmem>>, vector<16xf32>,
        %min3A_168 = arith.minimumf %min3A_136, %get3A_167 : vector<16xf32>
        %max3A_169 = arith.maximumf %max3A_137, %get3A_167 : vector<16xf32>
        scf.yield %min3A_144, %max3A_145, %min3A_152, %max3A_153, %min3A_160, %max3A_161, %min3A_168, %max3A_169 : vector<16xf32>, vector<16xf32>, vector<16xf32>, vector<16xf32>, vector<16xf32>, vector<16xf32>, vector<16xf32>, vector<16xf32>
      }
      %scan3A_85 = arith.constant 256 : i32
      %lt3A = arith.constant 15 : i32
      %lt3A_86 = arith.cmpi slt, %scan3A_49, %lt3A : i32
      %convert_element_type3A = arith.extui %lt3A_86 : i1 to i32
      %cond3A = arith.constant 0 : i32
      %cond3A_87 = arith.cmpi ne, %convert_element_type3A, %cond3A : i32
      scf.if %cond3A_87 {
        %add3A_98 = arith.constant 65536 : i32
        %add3A_99 = arith.addi %add3A_62, %add3A_98 : i32
        %dma_start3A_100 = arith.constant 0 : i32
        %dma_start3A_101 = tpu.memref_slice %arg4[%dma_start3A_100] : memref<32768xf32, #tpu.memory_space<vmem>> -> memref<16384xf32, #tpu.memory_space<vmem>>
        %dma_start3A_102 = tpu.memref_slice %arg2[%add3A_99] : memref<33554432xf32, #tpu.memory_space<hbm>> -> memref<16384xf32, #tpu.memory_space<hbm>>
        %dma_start3A_103 = arith.constant 0 : i32
        %dma_start3A_104 = tpu.memref_slice %arg4[%dma_start3A_103] : memref<32768xf32, #tpu.memory_space<vmem>> -> memref<16384xf32, #tpu.memory_space<vmem>>
        %dma_start3A_105 = tpu.memref_slice %arg2[%add3A_99] : memref<33554432xf32, #tpu.memory_space<hbm>> -> memref<16384xf32, #tpu.memory_space<hbm>>
        tpu.enqueue_dma source(%dma_start3A_105 : memref<16384xf32, #tpu.memory_space<hbm>>) target(%dma_start3A_104 : memref<16384xf32, #tpu.memory_space<vmem>>) target_semaphore(%arg7 : memref<!tpu.dma_semaphore, #tpu.memory_space<semaphore_mem>>)
        %add3A_106 = arith.constant 16384 : i32
        %add3A_107 = arith.addi %add3A_99, %add3A_106 : i32
        %dma_start3A_108 = arith.constant 16384 : i32
        %dma_start3A_109 = tpu.memref_slice %arg4[%dma_start3A_108] : memref<32768xf32, #tpu.memory_space<vmem>> -> memref<16384xf32, #tpu.memory_space<vmem>>
        %dma_start3A_110 = tpu.memref_slice %arg2[%add3A_107] : memref<33554432xf32, #tpu.memory_space<hbm>> -> memref<16384xf32, #tpu.memory_space<hbm>>
        %dma_start3A_111 = arith.constant 16384 : i32
        %dma_start3A_112 = tpu.memref_slice %arg4[%dma_start3A_111] : memref<32768xf32, #tpu.memory_space<vmem>> -> memref<16384xf32, #tpu.memory_space<vmem>>
        %dma_start3A_113 = tpu.memref_slice %arg2[%add3A_107] : memref<33554432xf32, #tpu.memory_space<hbm>> -> memref<16384xf32, #tpu.memory_space<hbm>>
        tpu.enqueue_dma source(%dma_start3A_113 : memref<16384xf32, #tpu.memory_space<hbm>>) target(%dma_start3A_112 : memref<16384xf32, #tpu.memory_space<vmem>>) target_semaphore(%arg7 : memref<!tpu.dma_semaphore, #tpu.memory_space<semaphore_mem>>)
      } else {
      }
      %add3A_88 = arith.constant 32768 : i32
      %add3A_89 = arith.addi %add3A_62, %add3A_88 : i32
      %dma_wait3A_90 = tpu.memref_slice %arg2[%add3A_89] : memref<33554432xf32, #tpu.memory_space<hbm>> -> memref<32768xf32, #tpu.memory_space<hbm>>
      %dma_wait3A_91 = tpu.memref_slice %arg2[%add3A_89] : memref<33554432xf32, #tpu.memory_space<hbm>> -> memref<32768xf32, #tpu.memory_space<hbm>>
      tpu.wait_dma2 semaphore(%arg8 : memref<!tpu.dma_semaphore, #tpu.memory_space<semaphore_mem>>) src(%dma_wait3A_91 : memref<32768xf32, #tpu.memory_space<hbm>>) dst(%arg5 : memref<32768xf32, #tpu.memory_space<vmem>>)
      %scan3A_92 = arith.constant 0 : i32
      %scan3A_93 = arith.constant 256 : i32
      %scan3A_94 = arith.addi %scan3A_92, %scan3A_93 : i32
      %scan3A_95 = arith.constant 1 : i32
      %scan3A_96:8 = scf.for %scan3A_98 = %scan3A_92 to %scan3A_94 step %scan3A_95 iter_args(%scan3A_99 = %scan3A_84#0, %scan3A_100 = %scan3A_84#1, %scan3A_101 = %scan3A_84#2, %scan3A_102 = %scan3A_84#3, %scan3A_103 = %scan3A_84#4, %scan3A_104 = %scan3A_84#5, %scan3A_105 = %scan3A_84#6, %scan3A_106 = %scan3A_84#7) -> (vector<16xf32>, vector<16xf32>, vector<16xf32>, vector<16xf32>, vector<16xf32>, vector<16xf32>, vector<16xf32>, vector<16xf32>)  : i32 {
        %mul3A_107 = arith.constant 128 : i32
        %mul3A_108 = arith.muli %scan3A_98, %mul3A_107 : i32
        %add3A_109 = arith.constant 0 : i32
        %add3A_110 = arith.addi %mul3A_108, %add3A_109 : i32
        %get3A = arith.index_cast %add3A_110 : i32 to index
        %get3A_111 = tpu.vector_load %arg5[%get3A] {strides = array<i32>} : memref<32768xf32, #tpu.memory_space<vmem>>, vector<16xf32>,
        %min3A_112 = arith.minimumf %scan3A_99, %get3A_111 : vector<16xf32>
        %max3A_113 = arith.maximumf %scan3A_100, %get3A_111 : vector<16xf32>
        %mul3A_114 = arith.constant 128 : i32
        %mul3A_115 = arith.muli %scan3A_98, %mul3A_114 : i32
        %add3A_116 = arith.constant 16 : i32
        %add3A_117 = arith.addi %mul3A_115, %add3A_116 : i32
        %get3A_118 = arith.index_cast %add3A_117 : i32 to index
        %get3A_119 = tpu.vector_load %arg5[%get3A_118] {strides = array<i32>} : memref<32768xf32, #tpu.memory_space<vmem>>, vector<16xf32>,
        %min3A_120 = arith.minimumf %scan3A_101, %get3A_119 : vector<16xf32>
        %max3A_121 = arith.maximumf %scan3A_102, %get3A_119 : vector<16xf32>
        %mul3A_122 = arith.constant 128 : i32
        %mul3A_123 = arith.muli %scan3A_98, %mul3A_122 : i32
        %add3A_124 = arith.constant 32 : i32
        %add3A_125 = arith.addi %mul3A_123, %add3A_124 : i32
        %get3A_126 = arith.index_cast %add3A_125 : i32 to index
        %get3A_127 = tpu.vector_load %arg5[%get3A_126] {strides = array<i32>} : memref<32768xf32, #tpu.memory_space<vmem>>, vector<16xf32>,
        %min3A_128 = arith.minimumf %scan3A_103, %get3A_127 : vector<16xf32>
        %max3A_129 = arith.maximumf %scan3A_104, %get3A_127 : vector<16xf32>
        %mul3A_130 = arith.constant 128 : i32
        %mul3A_131 = arith.muli %scan3A_98, %mul3A_130 : i32
        %add3A_132 = arith.constant 48 : i32
        %add3A_133 = arith.addi %mul3A_131, %add3A_132 : i32
        %get3A_134 = arith.index_cast %add3A_133 : i32 to index
        %get3A_135 = tpu.vector_load %arg5[%get3A_134] {strides = array<i32>} : memref<32768xf32, #tpu.memory_space<vmem>>, vector<16xf32>,
        %min3A_136 = arith.minimumf %scan3A_105, %get3A_135 : vector<16xf32>
        %max3A_137 = arith.maximumf %scan3A_106, %get3A_135 : vector<16xf32>
        %mul3A_138 = arith.constant 128 : i32
        %mul3A_139 = arith.muli %scan3A_98, %mul3A_138 : i32
        %add3A_140 = arith.constant 64 : i32
        %add3A_141 = arith.addi %mul3A_139, %add3A_140 : i32
        %get3A_142 = arith.index_cast %add3A_141 : i32 to index
        %get3A_143 = tpu.vector_load %arg5[%get3A_142] {strides = array<i32>} : memref<32768xf32, #tpu.memory_space<vmem>>, vector<16xf32>,
        %min3A_144 = arith.minimumf %min3A_112, %get3A_143 : vector<16xf32>
        %max3A_145 = arith.maximumf %max3A_113, %get3A_143 : vector<16xf32>
        %mul3A_146 = arith.constant 128 : i32
        %mul3A_147 = arith.muli %scan3A_98, %mul3A_146 : i32
        %add3A_148 = arith.constant 80 : i32
        %add3A_149 = arith.addi %mul3A_147, %add3A_148 : i32
        %get3A_150 = arith.index_cast %add3A_149 : i32 to index
        %get3A_151 = tpu.vector_load %arg5[%get3A_150] {strides = array<i32>} : memref<32768xf32, #tpu.memory_space<vmem>>, vector<16xf32>,
        %min3A_152 = arith.minimumf %min3A_120, %get3A_151 : vector<16xf32>
        %max3A_153 = arith.maximumf %max3A_121, %get3A_151 : vector<16xf32>
        %mul3A_154 = arith.constant 128 : i32
        %mul3A_155 = arith.muli %scan3A_98, %mul3A_154 : i32
        %add3A_156 = arith.constant 96 : i32
        %add3A_157 = arith.addi %mul3A_155, %add3A_156 : i32
        %get3A_158 = arith.index_cast %add3A_157 : i32 to index
        %get3A_159 = tpu.vector_load %arg5[%get3A_158] {strides = array<i32>} : memref<32768xf32, #tpu.memory_space<vmem>>, vector<16xf32>,
        %min3A_160 = arith.minimumf %min3A_128, %get3A_159 : vector<16xf32>
        %max3A_161 = arith.maximumf %max3A_129, %get3A_159 : vector<16xf32>
        %mul3A_162 = arith.constant 128 : i32
        %mul3A_163 = arith.muli %scan3A_98, %mul3A_162 : i32
        %add3A_164 = arith.constant 112 : i32
        %add3A_165 = arith.addi %mul3A_163, %add3A_164 : i32
        %get3A_166 = arith.index_cast %add3A_165 : i32 to index
        %get3A_167 = tpu.vector_load %arg5[%get3A_166] {strides = array<i32>} : memref<32768xf32, #tpu.memory_space<vmem>>, vector<16xf32>,
        %min3A_168 = arith.minimumf %min3A_136, %get3A_167 : vector<16xf32>
        %max3A_169 = arith.maximumf %max3A_137, %get3A_167 : vector<16xf32>
        scf.yield %min3A_144, %max3A_145, %min3A_152, %max3A_153, %min3A_160, %max3A_161, %min3A_168, %max3A_169 : vector<16xf32>, vector<16xf32>, vector<16xf32>, vector<16xf32>, vector<16xf32>, vector<16xf32>, vector<16xf32>, vector<16xf32>
      }
      %scan3A_97 = arith.constant 256 : i32
      scf.yield %scan3A_96#0, %scan3A_96#1, %scan3A_96#2, %scan3A_96#3, %scan3A_96#4, %scan3A_96#5, %scan3A_96#6, %scan3A_96#7 : vector<16xf32>, vector<16xf32>, vector<16xf32>, vector<16xf32>, vector<16xf32>, vector<16xf32>, vector<16xf32>, vector<16xf32>
    }
    %scan3A_35 = arith.constant 16 : i32
    %min3A = arith.minimumf %scan3A_34#0, %scan3A_34#2 : vector<16xf32>
    %min3A_36 = arith.minimumf %scan3A_34#4, %scan3A_34#6 : vector<16xf32>
    %min3A_37 = arith.minimumf %min3A, %min3A_36 : vector<16xf32>
    %max3A = arith.maximumf %scan3A_34#1, %scan3A_34#3 : vector<16xf32>
    %max3A_38 = arith.maximumf %scan3A_34#5, %scan3A_34#7 : vector<16xf32>
    %max3A_39 = arith.maximumf %max3A, %max3A_38 : vector<16xf32>
    %swap3A = arith.constant 0 : index
    %swap3A_40 = tpu.vector_load %arg6[%swap3A] {strides = array<i32>} : memref<32xf32, #tpu.memory_space<vmem>>, vector<16xf32>,
    tpu.vector_store %arg6[%swap3A], %min3A_37 {strides = array<i32>} : memref<32xf32, #tpu.memory_space<vmem>>, vector<16xf32>,
    %swap3A_41 = arith.constant 16 : index
    %swap3A_42 = tpu.vector_load %arg6[%swap3A_41] {strides = array<i32>} : memref<32xf32, #tpu.memory_space<vmem>>, vector<16xf32>,
    tpu.vector_store %arg6[%swap3A_41], %max3A_39 {strides = array<i32>} : memref<32xf32, #tpu.memory_space<vmem>>, vector<16xf32>,
    %mul3A_43 = arith.constant 16 : i32
    %mul3A_44 = arith.muli %add3A, %mul3A_43 : i32
    "tpu.region"() ({
      %run_scoped3A = tpu.sem_alloc : memref<!tpu.dma_semaphore, #tpu.memory_space<semaphore_mem>>
      %dma_start3A_49 = arith.constant 0 : i32
      %dma_start3A_50 = tpu.memref_slice %arg6[%dma_start3A_49] : memref<32xf32, #tpu.memory_space<vmem>> -> memref<16xf32, #tpu.memory_space<vmem>>
      %dma_start3A_51 = tpu.memref_slice %arg3[%mul3A_44] : memref<1024xf32, #tpu.memory_space<hbm>> -> memref<16xf32, #tpu.memory_space<hbm>>
      %dma_start3A_52 = tpu.memref_slice %arg3[%mul3A_44] : memref<1024xf32, #tpu.memory_space<hbm>> -> memref<16xf32, #tpu.memory_space<hbm>>
      %dma_start3A_53 = arith.constant 0 : i32
      %dma_start3A_54 = tpu.memref_slice %arg6[%dma_start3A_53] : memref<32xf32, #tpu.memory_space<vmem>> -> memref<16xf32, #tpu.memory_space<vmem>>
      tpu.enqueue_dma source(%dma_start3A_54 : memref<16xf32, #tpu.memory_space<vmem>>) target(%dma_start3A_52 : memref<16xf32, #tpu.memory_space<hbm>>) target_semaphore(%run_scoped3A : memref<!tpu.dma_semaphore, #tpu.memory_space<semaphore_mem>>)
      %dma_wait3A = arith.constant 0 : i32
      %dma_wait3A_55 = tpu.memref_slice %arg6[%dma_wait3A] : memref<32xf32, #tpu.memory_space<vmem>> -> memref<16xf32, #tpu.memory_space<vmem>>
      %dma_wait3A_56 = tpu.memref_slice %arg3[%mul3A_44] : memref<1024xf32, #tpu.memory_space<hbm>> -> memref<16xf32, #tpu.memory_space<hbm>>
      %dma_wait3A_57 = tpu.memref_slice %arg3[%mul3A_44] : memref<1024xf32, #tpu.memory_space<hbm>> -> memref<16xf32, #tpu.memory_space<hbm>>
      %dma_wait3A_58 = arith.constant 0 : i32
      %dma_wait3A_59 = tpu.memref_slice %arg6[%dma_wait3A_58] : memref<32xf32, #tpu.memory_space<vmem>> -> memref<16xf32, #tpu.memory_space<vmem>>
      tpu.wait_dma2 semaphore(%run_scoped3A : memref<!tpu.dma_semaphore, #tpu.memory_space<semaphore_mem>>) src(%dma_wait3A_59 : memref<16xf32, #tpu.memory_space<vmem>>) dst(%dma_wait3A_57 : memref<16xf32, #tpu.memory_space<hbm>>)
      tpu.yield
    }) : () -> ()
    %add3A_45 = arith.constant 32 : i32
    %add3A_46 = arith.addi %add3A_45, %add3A : i32
    %mul3A_47 = arith.constant 16 : i32
    %mul3A_48 = arith.muli %add3A_46, %mul3A_47 : i32
    "tpu.region"() ({
      %run_scoped3A = tpu.sem_alloc : memref<!tpu.dma_semaphore, #tpu.memory_space<semaphore_mem>>
      %dma_start3A_49 = arith.constant 16 : i32
      %dma_start3A_50 = tpu.memref_slice %arg6[%dma_start3A_49] : memref<32xf32, #tpu.memory_space<vmem>> -> memref<16xf32, #tpu.memory_space<vmem>>
      %dma_start3A_51 = tpu.memref_slice %arg3[%mul3A_48] : memref<1024xf32, #tpu.memory_space<hbm>> -> memref<16xf32, #tpu.memory_space<hbm>>
      %dma_start3A_52 = tpu.memref_slice %arg3[%mul3A_48] : memref<1024xf32, #tpu.memory_space<hbm>> -> memref<16xf32, #tpu.memory_space<hbm>>
      %dma_start3A_53 = arith.constant 16 : i32
      %dma_start3A_54 = tpu.memref_slice %arg6[%dma_start3A_53] : memref<32xf32, #tpu.memory_space<vmem>> -> memref<16xf32, #tpu.memory_space<vmem>>
      tpu.enqueue_dma source(%dma_start3A_54 : memref<16xf32, #tpu.memory_space<vmem>>) target(%dma_start3A_52 : memref<16xf32, #tpu.memory_space<hbm>>) target_semaphore(%run_scoped3A : memref<!tpu.dma_semaphore, #tpu.memory_space<semaphore_mem>>)
      %dma_wait3A = arith.constant 16 : i32
      %dma_wait3A_55 = tpu.memref_slice %arg6[%dma_wait3A] : memref<32xf32, #tpu.memory_space<vmem>> -> memref<16xf32, #tpu.memory_space<vmem>>
      %dma_wait3A_56 = tpu.memref_slice %arg3[%mul3A_48] : memref<1024xf32, #tpu.memory_space<hbm>> -> memref<16xf32, #tpu.memory_space<hbm>>
      %dma_wait3A_57 = tpu.memref_slice %arg3[%mul3A_48] : memref<1024xf32, #tpu.memory_space<hbm>> -> memref<16xf32, #tpu.memory_space<hbm>>
      %dma_wait3A_58 = arith.constant 16 : i32
      %dma_wait3A_59 = tpu.memref_slice %arg6[%dma_wait3A_58] : memref<32xf32, #tpu.memory_space<vmem>> -> memref<16xf32, #tpu.memory_space<vmem>>
      tpu.wait_dma2 semaphore(%run_scoped3A : memref<!tpu.dma_semaphore, #tpu.memory_space<semaphore_mem>>) src(%dma_wait3A_59 : memref<16xf32, #tpu.memory_space<vmem>>) dst(%dma_wait3A_57 : memref<16xf32, #tpu.memory_space<hbm>>)
      tpu.yield
    }) : () -> ()
    return
  }
}

#map = affine_map<(d0, d1) -> (0)>
#map1 = affine_map<(d0, d1) -> (0, 0)>
module attributes {stable_mosaic.version = 14 : i64} {
  func.func @_hist_k(%arg0: i32, %arg1: i32, %arg2: memref<33554432xf32, #tpu.memory_space<hbm>>, %arg3: memref<1024xf32, #tpu.memory_space<hbm>>, %arg4: memref<32x32896xf32, #tpu.memory_space<hbm>>, %arg5: memref<16xf32, #tpu.memory_space<hbm>>, %arg6: memref<32768xf32, #tpu.memory_space<vmem>>, %arg7: memref<32768xf32, #tpu.memory_space<vmem>>, %arg8: memref<32896xf32, #tpu.memory_space<vmem>>, %arg9: memref<1024xf32, #tpu.memory_space<vmem>>, %arg10: memref<!tpu.dma_semaphore, #tpu.memory_space<semaphore_mem>>, %arg11: memref<!tpu.dma_semaphore, #tpu.memory_space<semaphore_mem>>) attributes {dimension_semantics = [#tpu.dimension_semantics<core_parallel>, #tpu.dimension_semantics<subcore_parallel>], iteration_bounds = array<i64: 2, 16>, scalar_prefetch = 0 : i64, scratch_operands = 6 : i64, tpu.core_type = #tpu.core_type<sc_vector_subcore>, window_params = [{transform_indices = #map}, {transform_indices = #map}, {transform_indices = #map1}, {transform_indices = #map}]} {
    %mul3A = arith.constant 2 : i32
    %mul3A_0 = arith.muli %arg1, %mul3A : i32
    %add3A = arith.addi %mul3A_0, %arg0 : i32
    %mul3A_1 = arith.constant 1048576 : i32
    %mul3A_2 = arith.muli %add3A, %mul3A_1 : i32
    %dma_start3A = arith.constant 0 : i32
    %dma_start3A_3 = tpu.memref_slice %arg6[%dma_start3A] : memref<32768xf32, #tpu.memory_space<vmem>> -> memref<16384xf32, #tpu.memory_space<vmem>>
    %dma_start3A_4 = tpu.memref_slice %arg2[%mul3A_2] : memref<33554432xf32, #tpu.memory_space<hbm>> -> memref<16384xf32, #tpu.memory_space<hbm>>
    %dma_start3A_5 = arith.constant 0 : i32
    %dma_start3A_6 = tpu.memref_slice %arg6[%dma_start3A_5] : memref<32768xf32, #tpu.memory_space<vmem>> -> memref<16384xf32, #tpu.memory_space<vmem>>
    %dma_start3A_7 = tpu.memref_slice %arg2[%mul3A_2] : memref<33554432xf32, #tpu.memory_space<hbm>> -> memref<16384xf32, #tpu.memory_space<hbm>>
    tpu.enqueue_dma source(%dma_start3A_7 : memref<16384xf32, #tpu.memory_space<hbm>>) target(%dma_start3A_6 : memref<16384xf32, #tpu.memory_space<vmem>>) target_semaphore(%arg10 : memref<!tpu.dma_semaphore, #tpu.memory_space<semaphore_mem>>)
    %add3A_8 = arith.constant 16384 : i32
    %add3A_9 = arith.addi %mul3A_2, %add3A_8 : i32
    %dma_start3A_10 = arith.constant 16384 : i32
    %dma_start3A_11 = tpu.memref_slice %arg6[%dma_start3A_10] : memref<32768xf32, #tpu.memory_space<vmem>> -> memref<16384xf32, #tpu.memory_space<vmem>>
    %dma_start3A_12 = tpu.memref_slice %arg2[%add3A_9] : memref<33554432xf32, #tpu.memory_space<hbm>> -> memref<16384xf32, #tpu.memory_space<hbm>>
    %dma_start3A_13 = arith.constant 16384 : i32
    %dma_start3A_14 = tpu.memref_slice %arg6[%dma_start3A_13] : memref<32768xf32, #tpu.memory_space<vmem>> -> memref<16384xf32, #tpu.memory_space<vmem>>
    %dma_start3A_15 = tpu.memref_slice %arg2[%add3A_9] : memref<33554432xf32, #tpu.memory_space<hbm>> -> memref<16384xf32, #tpu.memory_space<hbm>>
    tpu.enqueue_dma source(%dma_start3A_15 : memref<16384xf32, #tpu.memory_space<hbm>>) target(%dma_start3A_14 : memref<16384xf32, #tpu.memory_space<vmem>>) target_semaphore(%arg10 : memref<!tpu.dma_semaphore, #tpu.memory_space<semaphore_mem>>)
    "tpu.region"() ({
      %run_scoped3A = tpu.sem_alloc : memref<!tpu.dma_semaphore, #tpu.memory_space<semaphore_mem>>
      tpu.enqueue_dma source(%arg3 : memref<1024xf32, #tpu.memory_space<hbm>>) target(%arg9 : memref<1024xf32, #tpu.memory_space<vmem>>) target_semaphore(%run_scoped3A : memref<!tpu.dma_semaphore, #tpu.memory_space<semaphore_mem>>)
      tpu.wait_dma2 semaphore(%run_scoped3A : memref<!tpu.dma_semaphore, #tpu.memory_space<semaphore_mem>>) src(%arg3 : memref<1024xf32, #tpu.memory_space<hbm>>) dst(%arg9 : memref<1024xf32, #tpu.memory_space<vmem>>)
      tpu.yield
    }) : () -> ()
    %broadcast_in_dim3A = arith.constant 0x7F800000 : f32
    %broadcast_in_dim3A_16 = vector.broadcast %broadcast_in_dim3A : f32 to vector<16xf32>
    %broadcast_in_dim3A_17 = arith.constant 0xFF800000 : f32
    %broadcast_in_dim3A_18 = vector.broadcast %broadcast_in_dim3A_17 : f32 to vector<16xf32>
    %scan3A = arith.constant 0 : i32
    %scan3A_19 = arith.constant 32 : i32
    %scan3A_20 = arith.addi %scan3A, %scan3A_19 : i32
    %scan3A_21 = arith.constant 1 : i32
    %scan3A_22:2 = scf.for %scan3A_67 = %scan3A to %scan3A_20 step %scan3A_21 iter_args(%scan3A_68 = %broadcast_in_dim3A_16, %scan3A_69 = %broadcast_in_dim3A_18) -> (vector<16xf32>, vector<16xf32>)  : i32 {
      %mul3A_70 = arith.constant 16 : i32
      %mul3A_71 = arith.muli %scan3A_67, %mul3A_70 : i32
      %get3A = arith.index_cast %mul3A_71 : i32 to index
      %get3A_72 = tpu.vector_load %arg9[%get3A] {strides = array<i32>} : memref<1024xf32, #tpu.memory_space<vmem>>, vector<16xf32>,
      %min3A = arith.minimumf %scan3A_68, %get3A_72 : vector<16xf32>
      %add3A_73 = arith.constant 32 : i32
      %add3A_74 = arith.addi %add3A_73, %scan3A_67 : i32
      %mul3A_75 = arith.constant 16 : i32
      %mul3A_76 = arith.muli %add3A_74, %mul3A_75 : i32
      %get3A_77 = arith.index_cast %mul3A_76 : i32 to index
      %get3A_78 = tpu.vector_load %arg9[%get3A_77] {strides = array<i32>} : memref<1024xf32, #tpu.memory_space<vmem>>, vector<16xf32>,
      %max3A = arith.maximumf %scan3A_69, %get3A_78 : vector<16xf32>
      scf.yield %min3A, %max3A : vector<16xf32>, vector<16xf32>
    }
    %scan3A_23 = arith.constant 32 : i32
    %broadcast_in_dim3A_24 = arith.constant 1.000000e+00 : f32
    %broadcast_in_dim3A_25 = vector.broadcast %broadcast_in_dim3A_24 : f32 to vector<16xf32>
    %reduce_min3A = arith.constant true
    %reduce_min3A_26 = vector.broadcast %reduce_min3A : i1 to vector<16xi1>
    %reduce_min3A_27 = tpu.scan <min>, %scan3A_22#0 masked %reduce_min3A_26 : vector<16xf32>, vector<16xi1> -> vector<16xf32>
    %reduce_min3A_28 = vector.extract %reduce_min3A_27[15] : f32 from vector<16xf32>
    %mul3A_29 = vector.broadcast %reduce_min3A_28 : f32 to vector<16xf32>
    %mul3A_30 = arith.mulf %broadcast_in_dim3A_25, %mul3A_29 : vector<16xf32>
    %reduce_max3A = arith.constant true
    %reduce_max3A_31 = vector.broadcast %reduce_max3A : i1 to vector<16xi1>
    %reduce_max3A_32 = tpu.scan <max>, %scan3A_22#1 masked %reduce_max3A_31 : vector<16xf32>, vector<16xi1> -> vector<16xf32>
    %reduce_max3A_33 = vector.extract %reduce_max3A_32[15] : f32 from vector<16xf32>
    %mul3A_34 = vector.broadcast %reduce_max3A_33 : f32 to vector<16xf32>
    %mul3A_35 = arith.mulf %broadcast_in_dim3A_25, %mul3A_34 : vector<16xf32>
    %sub3A = arith.subf %mul3A_35, %mul3A_30 : vector<16xf32>
    %div3A = arith.constant 2.048000e+03 : f32
    %div3A_36 = vector.broadcast %div3A : f32 to vector<16xf32>
    %div3A_37 = arith.divf %sub3A, %div3A_36 : vector<16xf32>
    %eq3A = arith.constant 0.000000e+00 : f32
    %eq3A_38 = vector.broadcast %eq3A : f32 to vector<16xf32>
    %eq3A_39 = arith.cmpf oeq, %div3A_37, %eq3A_38 : vector<16xf32>
    %select_n3A = arith.select %eq3A_39, %broadcast_in_dim3A_25, %div3A_37 : vector<16xi1>, vector<16xf32>
    %div3A_40 = arith.constant 1.600000e+01 : f32
    %div3A_41 = vector.broadcast %div3A_40 : f32 to vector<16xf32>
    %div3A_42 = arith.divf %div3A_41, %select_n3A : vector<16xf32>
    %broadcast_in_dim3A_43 = arith.constant 0x4B000000 : f32
    %broadcast_in_dim3A_44 = vector.broadcast %broadcast_in_dim3A_43 : f32 to vector<16xf32>
    %mul3A_45 = arith.mulf %mul3A_30, %div3A_42 : vector<16xf32>
    %sub3A_46 = arith.subf %broadcast_in_dim3A_44, %mul3A_45 : vector<16xf32>
    %iota3A = tpu.iota {dimensions = array<i32: 0>} : vector<16xi32>
    %broadcast_in_dim3A_47 = arith.constant 1.000000e+00 : f32
    %broadcast_in_dim3A_48 = vector.broadcast %broadcast_in_dim3A_47 : f32 to vector<16xf32>
    %broadcast_in_dim3A_49 = arith.constant 0.000000e+00 : f32
    %broadcast_in_dim3A_50 = vector.broadcast %broadcast_in_dim3A_49 : f32 to vector<16xf32>
    %scan3A_51 = arith.constant 0 : i32
    %scan3A_52 = arith.constant 0 : i32
    %scan3A_53 = arith.constant 257 : i32
    %scan3A_54 = arith.addi %scan3A_52, %scan3A_53 : i32
    %scan3A_55 = arith.constant 1 : i32
    %scan3A_56 = scf.for %scan3A_67 = %scan3A_52 to %scan3A_54 step %scan3A_55 iter_args(%scan3A_68 = %scan3A_51) -> (i32)  : i32 {
      %mul3A_69 = arith.constant 128 : i32
      %mul3A_70 = arith.muli %scan3A_67, %mul3A_69 : i32
      %add3A_71 = arith.constant 0 : i32
      %add3A_72 = arith.addi %mul3A_70, %add3A_71 : i32
      %swap3A = arith.index_cast %add3A_72 : i32 to index
      %swap3A_73 = tpu.vector_load %arg8[%swap3A] {strides = array<i32>} : memref<32896xf32, #tpu.memory_space<vmem>>, vector<16xf32>,
      tpu.vector_store %arg8[%swap3A], %broadcast_in_dim3A_50 {strides = array<i32>} : memref<32896xf32, #tpu.memory_space<vmem>>, vector<16xf32>,
      %mul3A_74 = arith.constant 128 : i32
      %mul3A_75 = arith.muli %scan3A_67, %mul3A_74 : i32
      %add3A_76 = arith.constant 16 : i32
      %add3A_77 = arith.addi %mul3A_75, %add3A_76 : i32
      %swap3A_78 = arith.index_cast %add3A_77 : i32 to index
      %swap3A_79 = tpu.vector_load %arg8[%swap3A_78] {strides = array<i32>} : memref<32896xf32, #tpu.memory_space<vmem>>, vector<16xf32>,
      tpu.vector_store %arg8[%swap3A_78], %broadcast_in_dim3A_50 {strides = array<i32>} : memref<32896xf32, #tpu.memory_space<vmem>>, vector<16xf32>,
      %mul3A_80 = arith.constant 128 : i32
      %mul3A_81 = arith.muli %scan3A_67, %mul3A_80 : i32
      %add3A_82 = arith.constant 32 : i32
      %add3A_83 = arith.addi %mul3A_81, %add3A_82 : i32
      %swap3A_84 = arith.index_cast %add3A_83 : i32 to index
      %swap3A_85 = tpu.vector_load %arg8[%swap3A_84] {strides = array<i32>} : memref<32896xf32, #tpu.memory_space<vmem>>, vector<16xf32>,
      tpu.vector_store %arg8[%swap3A_84], %broadcast_in_dim3A_50 {strides = array<i32>} : memref<32896xf32, #tpu.memory_space<vmem>>, vector<16xf32>,
      %mul3A_86 = arith.constant 128 : i32
      %mul3A_87 = arith.muli %scan3A_67, %mul3A_86 : i32
      %add3A_88 = arith.constant 48 : i32
      %add3A_89 = arith.addi %mul3A_87, %add3A_88 : i32
      %swap3A_90 = arith.index_cast %add3A_89 : i32 to index
      %swap3A_91 = tpu.vector_load %arg8[%swap3A_90] {strides = array<i32>} : memref<32896xf32, #tpu.memory_space<vmem>>, vector<16xf32>,
      tpu.vector_store %arg8[%swap3A_90], %broadcast_in_dim3A_50 {strides = array<i32>} : memref<32896xf32, #tpu.memory_space<vmem>>, vector<16xf32>,
      %mul3A_92 = arith.constant 128 : i32
      %mul3A_93 = arith.muli %scan3A_67, %mul3A_92 : i32
      %add3A_94 = arith.constant 64 : i32
      %add3A_95 = arith.addi %mul3A_93, %add3A_94 : i32
      %swap3A_96 = arith.index_cast %add3A_95 : i32 to index
      %swap3A_97 = tpu.vector_load %arg8[%swap3A_96] {strides = array<i32>} : memref<32896xf32, #tpu.memory_space<vmem>>, vector<16xf32>,
      tpu.vector_store %arg8[%swap3A_96], %broadcast_in_dim3A_50 {strides = array<i32>} : memref<32896xf32, #tpu.memory_space<vmem>>, vector<16xf32>,
      %mul3A_98 = arith.constant 128 : i32
      %mul3A_99 = arith.muli %scan3A_67, %mul3A_98 : i32
      %add3A_100 = arith.constant 80 : i32
      %add3A_101 = arith.addi %mul3A_99, %add3A_100 : i32
      %swap3A_102 = arith.index_cast %add3A_101 : i32 to index
      %swap3A_103 = tpu.vector_load %arg8[%swap3A_102] {strides = array<i32>} : memref<32896xf32, #tpu.memory_space<vmem>>, vector<16xf32>,
      tpu.vector_store %arg8[%swap3A_102], %broadcast_in_dim3A_50 {strides = array<i32>} : memref<32896xf32, #tpu.memory_space<vmem>>, vector<16xf32>,
      %mul3A_104 = arith.constant 128 : i32
      %mul3A_105 = arith.muli %scan3A_67, %mul3A_104 : i32
      %add3A_106 = arith.constant 96 : i32
      %add3A_107 = arith.addi %mul3A_105, %add3A_106 : i32
      %swap3A_108 = arith.index_cast %add3A_107 : i32 to index
      %swap3A_109 = tpu.vector_load %arg8[%swap3A_108] {strides = array<i32>} : memref<32896xf32, #tpu.memory_space<vmem>>, vector<16xf32>,
      tpu.vector_store %arg8[%swap3A_108], %broadcast_in_dim3A_50 {strides = array<i32>} : memref<32896xf32, #tpu.memory_space<vmem>>, vector<16xf32>,
      %mul3A_110 = arith.constant 128 : i32
      %mul3A_111 = arith.muli %scan3A_67, %mul3A_110 : i32
      %add3A_112 = arith.constant 112 : i32
      %add3A_113 = arith.addi %mul3A_111, %add3A_112 : i32
      %swap3A_114 = arith.index_cast %add3A_113 : i32 to index
      %swap3A_115 = tpu.vector_load %arg8[%swap3A_114] {strides = array<i32>} : memref<32896xf32, #tpu.memory_space<vmem>>, vector<16xf32>,
      tpu.vector_store %arg8[%swap3A_114], %broadcast_in_dim3A_50 {strides = array<i32>} : memref<32896xf32, #tpu.memory_space<vmem>>, vector<16xf32>,
      %scan3A_116 = arith.constant 0 : i32
      scf.yield %scan3A_116 : i32
    }
    %scan3A_57 = arith.constant 257 : i32
    %scan3A_58 = arith.constant 0 : i32
    %scan3A_59 = arith.constant 0 : i32
    %scan3A_60 = arith.constant 16 : i32
    %scan3A_61 = arith.addi %scan3A_59, %scan3A_60 : i32
    %scan3A_62 = arith.constant 1 : i32
    scf.for %scan3A_67 = %scan3A_59 to %scan3A_61 step %scan3A_62  : i32 {
      %mul3A_68 = arith.constant 2 : i32
      %mul3A_69 = arith.muli %mul3A_68, %scan3A_67 : i32
      %mul3A_70 = arith.constant 32768 : i32
      %mul3A_71 = arith.muli %mul3A_69, %mul3A_70 : i32
      %add3A_72 = arith.addi %mul3A_2, %mul3A_71 : i32
      %add3A_73 = arith.constant 32768 : i32
      %add3A_74 = arith.addi %add3A_72, %add3A_73 : i32
      %dma_start3A_75 = arith.constant 0 : i32
      %dma_start3A_76 = tpu.memref_slice %arg7[%dma_start3A_75] : memref<32768xf32, #tpu.memory_space<vmem>> -> memref<16384xf32, #tpu.memory_space<vmem>>
      %dma_start3A_77 = tpu.memref_slice %arg2[%add3A_74] : memref<33554432xf32, #tpu.memory_space<hbm>> -> memref<16384xf32, #tpu.memory_space<hbm>>
      %dma_start3A_78 = arith.constant 0 : i32
      %dma_start3A_79 = tpu.memref_slice %arg7[%dma_start3A_78] : memref<32768xf32, #tpu.memory_space<vmem>> -> memref<16384xf32, #tpu.memory_space<vmem>>
      %dma_start3A_80 = tpu.memref_slice %arg2[%add3A_74] : memref<33554432xf32, #tpu.memory_space<hbm>> -> memref<16384xf32, #tpu.memory_space<hbm>>
      tpu.enqueue_dma source(%dma_start3A_80 : memref<16384xf32, #tpu.memory_space<hbm>>) target(%dma_start3A_79 : memref<16384xf32, #tpu.memory_space<vmem>>) target_semaphore(%arg11 : memref<!tpu.dma_semaphore, #tpu.memory_space<semaphore_mem>>)
      %add3A_81 = arith.constant 16384 : i32
      %add3A_82 = arith.addi %add3A_74, %add3A_81 : i32
      %dma_start3A_83 = arith.constant 16384 : i32
      %dma_start3A_84 = tpu.memref_slice %arg7[%dma_start3A_83] : memref<32768xf32, #tpu.memory_space<vmem>> -> memref<16384xf32, #tpu.memory_space<vmem>>
      %dma_start3A_85 = tpu.memref_slice %arg2[%add3A_82] : memref<33554432xf32, #tpu.memory_space<hbm>> -> memref<16384xf32, #tpu.memory_space<hbm>>
      %dma_start3A_86 = arith.constant 16384 : i32
      %dma_start3A_87 = tpu.memref_slice %arg7[%dma_start3A_86] : memref<32768xf32, #tpu.memory_space<vmem>> -> memref<16384xf32, #tpu.memory_space<vmem>>
      %dma_start3A_88 = tpu.memref_slice %arg2[%add3A_82] : memref<33554432xf32, #tpu.memory_space<hbm>> -> memref<16384xf32, #tpu.memory_space<hbm>>
      tpu.enqueue_dma source(%dma_start3A_88 : memref<16384xf32, #tpu.memory_space<hbm>>) target(%dma_start3A_87 : memref<16384xf32, #tpu.memory_space<vmem>>) target_semaphore(%arg11 : memref<!tpu.dma_semaphore, #tpu.memory_space<semaphore_mem>>)
      %dma_wait3A = tpu.memref_slice %arg2[%add3A_72] : memref<33554432xf32, #tpu.memory_space<hbm>> -> memref<32768xf32, #tpu.memory_space<hbm>>
      %dma_wait3A_89 = tpu.memref_slice %arg2[%add3A_72] : memref<33554432xf32, #tpu.memory_space<hbm>> -> memref<32768xf32, #tpu.memory_space<hbm>>
      tpu.wait_dma2 semaphore(%arg10 : memref<!tpu.dma_semaphore, #tpu.memory_space<semaphore_mem>>) src(%dma_wait3A_89 : memref<32768xf32, #tpu.memory_space<hbm>>) dst(%arg6 : memref<32768xf32, #tpu.memory_space<vmem>>)
      %parallel_loop3A = arith.constant 0 : i32
      %parallel_loop3A_90 = arith.constant 2048 : i32
      %parallel_loop3A_91 = arith.constant 1 : i32
      scf.for %parallel_loop3A_103 = %parallel_loop3A to %parallel_loop3A_90 step %parallel_loop3A_91  : i32 {
        %parallel_loop3A_104 = arith.constant 16 : i32
        %parallel_loop3A_105 = arith.muli %parallel_loop3A_103, %parallel_loop3A_104 : i32
        %parallel_loop3A_106 = arith.index_cast %parallel_loop3A_105 : i32 to index
        %parallel_loop3A_107 = tpu.vector_load %arg6[%parallel_loop3A_106] {strides = array<i32>} : memref<32768xf32, #tpu.memory_space<vmem>>, vector<16xf32>,
        %parallel_loop3A_108 = arith.mulf %parallel_loop3A_107, %div3A_42 : vector<16xf32>
        %parallel_loop3A_109 = arith.addf %parallel_loop3A_108, %sub3A_46 : vector<16xf32>
        %parallel_loop3A_110 = vector.bitcast %parallel_loop3A_109 : vector<16xf32> to vector<16xi32>
        %parallel_loop3A_111 = arith.constant 8388592 : i32
        %parallel_loop3A_112 = vector.broadcast %parallel_loop3A_111 : i32 to vector<16xi32>
        %parallel_loop3A_113 = arith.andi %parallel_loop3A_110, %parallel_loop3A_112 : vector<16xi32>
        %parallel_loop3A_114 = arith.ori %parallel_loop3A_113, %iota3A : vector<16xi32>
        tpu.vector_store_idx %arg8[%parallel_loop3A_114], %broadcast_in_dim3A_48 {add = true} : memref<32896xf32, #tpu.memory_space<vmem>>[vector<16xi32>], vector<16xf32>,
      } {sc.loop_unroll_factor = 8 : i64, sc.parallel_access}
      %lt3A = arith.constant 15 : i32
      %lt3A_92 = arith.cmpi slt, %scan3A_67, %lt3A : i32
      %convert_element_type3A_93 = arith.extui %lt3A_92 : i1 to i32
      %cond3A_94 = arith.constant 0 : i32
      %cond3A_95 = arith.cmpi ne, %convert_element_type3A_93, %cond3A_94 : i32
      scf.if %cond3A_95 {
        %add3A_103 = arith.constant 65536 : i32
        %add3A_104 = arith.addi %add3A_72, %add3A_103 : i32
        %dma_start3A_105 = arith.constant 0 : i32
        %dma_start3A_106 = tpu.memref_slice %arg6[%dma_start3A_105] : memref<32768xf32, #tpu.memory_space<vmem>> -> memref<16384xf32, #tpu.memory_space<vmem>>
        %dma_start3A_107 = tpu.memref_slice %arg2[%add3A_104] : memref<33554432xf32, #tpu.memory_space<hbm>> -> memref<16384xf32, #tpu.memory_space<hbm>>
        %dma_start3A_108 = arith.constant 0 : i32
        %dma_start3A_109 = tpu.memref_slice %arg6[%dma_start3A_108] : memref<32768xf32, #tpu.memory_space<vmem>> -> memref<16384xf32, #tpu.memory_space<vmem>>
        %dma_start3A_110 = tpu.memref_slice %arg2[%add3A_104] : memref<33554432xf32, #tpu.memory_space<hbm>> -> memref<16384xf32, #tpu.memory_space<hbm>>
        tpu.enqueue_dma source(%dma_start3A_110 : memref<16384xf32, #tpu.memory_space<hbm>>) target(%dma_start3A_109 : memref<16384xf32, #tpu.memory_space<vmem>>) target_semaphore(%arg10 : memref<!tpu.dma_semaphore, #tpu.memory_space<semaphore_mem>>)
        %add3A_111 = arith.constant 16384 : i32
        %add3A_112 = arith.addi %add3A_104, %add3A_111 : i32
        %dma_start3A_113 = arith.constant 16384 : i32
        %dma_start3A_114 = tpu.memref_slice %arg6[%dma_start3A_113] : memref<32768xf32, #tpu.memory_space<vmem>> -> memref<16384xf32, #tpu.memory_space<vmem>>
        %dma_start3A_115 = tpu.memref_slice %arg2[%add3A_112] : memref<33554432xf32, #tpu.memory_space<hbm>> -> memref<16384xf32, #tpu.memory_space<hbm>>
        %dma_start3A_116 = arith.constant 16384 : i32
        %dma_start3A_117 = tpu.memref_slice %arg6[%dma_start3A_116] : memref<32768xf32, #tpu.memory_space<vmem>> -> memref<16384xf32, #tpu.memory_space<vmem>>
        %dma_start3A_118 = tpu.memref_slice %arg2[%add3A_112] : memref<33554432xf32, #tpu.memory_space<hbm>> -> memref<16384xf32, #tpu.memory_space<hbm>>
        tpu.enqueue_dma source(%dma_start3A_118 : memref<16384xf32, #tpu.memory_space<hbm>>) target(%dma_start3A_117 : memref<16384xf32, #tpu.memory_space<vmem>>) target_semaphore(%arg10 : memref<!tpu.dma_semaphore, #tpu.memory_space<semaphore_mem>>)
      } else {
      }
      %add3A_96 = arith.constant 32768 : i32
      %add3A_97 = arith.addi %add3A_72, %add3A_96 : i32
      %dma_wait3A_98 = tpu.memref_slice %arg2[%add3A_97] : memref<33554432xf32, #tpu.memory_space<hbm>> -> memref<32768xf32, #tpu.memory_space<hbm>>
      %dma_wait3A_99 = tpu.memref_slice %arg2[%add3A_97] : memref<33554432xf32, #tpu.memory_space<hbm>> -> memref<32768xf32, #tpu.memory_space<hbm>>
      tpu.wait_dma2 semaphore(%arg11 : memref<!tpu.dma_semaphore, #tpu.memory_space<semaphore_mem>>) src(%dma_wait3A_99 : memref<32768xf32, #tpu.memory_space<hbm>>) dst(%arg7 : memref<32768xf32, #tpu.memory_space<vmem>>)
      %parallel_loop3A_100 = arith.constant 0 : i32
      %parallel_loop3A_101 = arith.constant 2048 : i32
      %parallel_loop3A_102 = arith.constant 1 : i32
      scf.for %parallel_loop3A_103 = %parallel_loop3A_100 to %parallel_loop3A_101 step %parallel_loop3A_102  : i32 {
        %parallel_loop3A_104 = arith.constant 16 : i32
        %parallel_loop3A_105 = arith.muli %parallel_loop3A_103, %parallel_loop3A_104 : i32
        %parallel_loop3A_106 = arith.index_cast %parallel_loop3A_105 : i32 to index
        %parallel_loop3A_107 = tpu.vector_load %arg7[%parallel_loop3A_106] {strides = array<i32>} : memref<32768xf32, #tpu.memory_space<vmem>>, vector<16xf32>,
        %parallel_loop3A_108 = arith.mulf %parallel_loop3A_107, %div3A_42 : vector<16xf32>
        %parallel_loop3A_109 = arith.addf %parallel_loop3A_108, %sub3A_46 : vector<16xf32>
        %parallel_loop3A_110 = vector.bitcast %parallel_loop3A_109 : vector<16xf32> to vector<16xi32>
        %parallel_loop3A_111 = arith.constant 8388592 : i32
        %parallel_loop3A_112 = vector.broadcast %parallel_loop3A_111 : i32 to vector<16xi32>
        %parallel_loop3A_113 = arith.andi %parallel_loop3A_110, %parallel_loop3A_112 : vector<16xi32>
        %parallel_loop3A_114 = arith.ori %parallel_loop3A_113, %iota3A : vector<16xi32>
        tpu.vector_store_idx %arg8[%parallel_loop3A_114], %broadcast_in_dim3A_48 {add = true} : memref<32896xf32, #tpu.memory_space<vmem>>[vector<16xi32>], vector<16xf32>,
      } {sc.loop_unroll_factor = 8 : i64, sc.parallel_access}
    }
    %scan3A_63 = arith.constant 16 : i32
    "tpu.region"() ({
      %run_scoped3A = tpu.sem_alloc : memref<!tpu.dma_semaphore, #tpu.memory_space<semaphore_mem>>
      %dma_start3A_67 = arith.constant 0 : i32
      %dma_start3A_68 = tpu.memref_slice %arg4[%add3A, %dma_start3A_67] : memref<32x32896xf32, #tpu.memory_space<hbm>> -> memref<1x32896xf32, #tpu.memory_space<hbm>>
      %dma_start3A_69 = tpu.memref_squeeze %dma_start3A_68 : memref<1x32896xf32, #tpu.memory_space<hbm>> -> memref<32896xf32, #tpu.memory_space<hbm>>
      %dma_start3A_70 = arith.constant 0 : i32
      %dma_start3A_71 = tpu.memref_slice %arg4[%add3A, %dma_start3A_70] : memref<32x32896xf32, #tpu.memory_space<hbm>> -> memref<1x32896xf32, #tpu.memory_space<hbm>>
      %dma_start3A_72 = tpu.memref_squeeze %dma_start3A_71 : memref<1x32896xf32, #tpu.memory_space<hbm>> -> memref<32896xf32, #tpu.memory_space<hbm>>
      tpu.enqueue_dma source(%arg8 : memref<32896xf32, #tpu.memory_space<vmem>>) target(%dma_start3A_72 : memref<32896xf32, #tpu.memory_space<hbm>>) target_semaphore(%run_scoped3A : memref<!tpu.dma_semaphore, #tpu.memory_space<semaphore_mem>>)
      %dma_wait3A = arith.constant 0 : i32
      %dma_wait3A_73 = tpu.memref_slice %arg4[%add3A, %dma_wait3A] : memref<32x32896xf32, #tpu.memory_space<hbm>> -> memref<1x32896xf32, #tpu.memory_space<hbm>>
      %dma_wait3A_74 = tpu.memref_squeeze %dma_wait3A_73 : memref<1x32896xf32, #tpu.memory_space<hbm>> -> memref<32896xf32, #tpu.memory_space<hbm>>
      %dma_wait3A_75 = arith.constant 0 : i32
      %dma_wait3A_76 = tpu.memref_slice %arg4[%add3A, %dma_wait3A_75] : memref<32x32896xf32, #tpu.memory_space<hbm>> -> memref<1x32896xf32, #tpu.memory_space<hbm>>
      %dma_wait3A_77 = tpu.memref_squeeze %dma_wait3A_76 : memref<1x32896xf32, #tpu.memory_space<hbm>> -> memref<32896xf32, #tpu.memory_space<hbm>>
      tpu.wait_dma2 semaphore(%run_scoped3A : memref<!tpu.dma_semaphore, #tpu.memory_space<semaphore_mem>>) src(%arg8 : memref<32896xf32, #tpu.memory_space<vmem>>) dst(%dma_wait3A_77 : memref<32896xf32, #tpu.memory_space<hbm>>)
      tpu.yield
    }) : () -> ()
    %eq3A_64 = arith.constant 0 : i32
    %eq3A_65 = arith.cmpi eq, %add3A, %eq3A_64 : i32
    %convert_element_type3A = arith.extui %eq3A_65 : i1 to i32
    %cond3A = arith.constant 0 : i32
    %cond3A_66 = arith.cmpi ne, %convert_element_type3A, %cond3A : i32
    scf.if %cond3A_66 {
      %eq3A_67 = arith.constant 0 : i32
      %eq3A_68 = vector.broadcast %eq3A_67 : i32 to vector<16xi32>
      %eq3A_69 = arith.cmpi eq, %iota3A, %eq3A_68 : vector<16xi32>
      %select_n3A_70 = arith.select %eq3A_69, %mul3A_30, %mul3A_35 : vector<16xi1>, vector<16xf32>
      %swap3A = arith.constant 0 : index
      %swap3A_71 = tpu.vector_load %arg9[%swap3A] {strides = array<i32>} : memref<1024xf32, #tpu.memory_space<vmem>>, vector<16xf32>,
      tpu.vector_store %arg9[%swap3A], %select_n3A_70 {strides = array<i32>} : memref<1024xf32, #tpu.memory_space<vmem>>, vector<16xf32>,
      "tpu.region"() ({
        %run_scoped3A = tpu.sem_alloc : memref<!tpu.dma_semaphore, #tpu.memory_space<semaphore_mem>>
        %dma_start3A_72 = arith.constant 0 : i32
        %dma_start3A_73 = tpu.memref_slice %arg9[%dma_start3A_72] : memref<1024xf32, #tpu.memory_space<vmem>> -> memref<16xf32, #tpu.memory_space<vmem>>
        %dma_start3A_74 = arith.constant 0 : i32
        %dma_start3A_75 = tpu.memref_slice %arg9[%dma_start3A_74] : memref<1024xf32, #tpu.memory_space<vmem>> -> memref<16xf32, #tpu.memory_space<vmem>>
        tpu.enqueue_dma source(%dma_start3A_75 : memref<16xf32, #tpu.memory_space<vmem>>) target(%arg5 : memref<16xf32, #tpu.memory_space<hbm>>) target_semaphore(%run_scoped3A : memref<!tpu.dma_semaphore, #tpu.memory_space<semaphore_mem>>)
        %dma_wait3A = arith.constant 0 : i32
        %dma_wait3A_76 = tpu.memref_slice %arg9[%dma_wait3A] : memref<1024xf32, #tpu.memory_space<vmem>> -> memref<16xf32, #tpu.memory_space<vmem>>
        %dma_wait3A_77 = arith.constant 0 : i32
        %dma_wait3A_78 = tpu.memref_slice %arg9[%dma_wait3A_77] : memref<1024xf32, #tpu.memory_space<vmem>> -> memref<16xf32, #tpu.memory_space<vmem>>
        tpu.wait_dma2 semaphore(%run_scoped3A : memref<!tpu.dma_semaphore, #tpu.memory_space<semaphore_mem>>) src(%dma_wait3A_78 : memref<16xf32, #tpu.memory_space<vmem>>) dst(%arg5 : memref<16xf32, #tpu.memory_space<hbm>>)
        tpu.yield
      }) : () -> ()
    } else {
    }
    return
  }
}

</mosaic_0001>

<sc_bundles>
// kernel: kernel.4.cloned.1.call-start
scs
__scs_entry_jumppad:
0x0: {  	(pc) =	sbr.rel $0x88, $3  }
0x1: {  	(tag) =	ssettag $0x0;
	lr =	simm.s32 $0x1  }
0x2: {  	[smem:$0x3FA0] =	sst lr;
	_ =	strace $0xD0000000  }
0x3: {  	_ = 	snop  }
0x4: {  	_ = 	snop  }
0x5: {  	_ = 	snop  }
0x6: {  	_ = 	snop  }
0x7: {  	_ = 	snop  }
__scs_overlays_trampoline_lowered:
0x8: {  	[smem:$0x3FAF] =	sst s0  }
0x9: {  	[smem:$0x3FB0] =	sst s1  }
0xa: {  	[smem:$0x3FB1] =	sst s2  }
0xb: {  	[smem:$0x3FB2] =	sst s3  }
0xc: {  	[smem:$0x3FB3] =	sst s4  }
0xd: {  	[smem:$0x3FB4] =	sst s5  }
0xe: {  	[smem:$0x3FB5] =	sst s6  }
0xf: {  	[smem:$0x3FB6] =	sst s7  }
0x10: {  	[smem:$0x3FB7] =	sst s8  }
0x11: {  	[smem:$0x3FB8] =	sst s9;
	s0 =	simm.s32 @!p0 $0x0  }
0x12: {  	s1 =	sld [smem:$0x3F9E];
	s0 =	simm.s32 @p0 $0x1  }
0x13: {  	[smem:$0x3FB9] =	sst s0;
	s0 =	simm.s32 @!p1 $0x0  }
0x14: {  	s2 =	sld [smem:$0x3F9D];
	s0 =	simm.s32 @p1 $0x1  }
0x15: {  	[smem:$0x3FBA] =	sst s0;
	s0 =	simm.s32 @!p2 $0x0  }
0x16: {  	s3 =	sld [smem:$0x3FDB];
	s0 =	simm.s32 @p2 $0x1  }
0x17: {  	s4 =	simm.s32 $0x1BF5;
	[smem:$0x3FBC] =	sst s0  }
0x18: {  	s0 =	sld [smem:$0x3F9F];
	_ =	swait.ge [sflag:s4], $0x0  }
0x19: {  	s7 =	sld [smem:$0x3FA0]  }
0x1a: {  	s8 =	sadd.s32 $0xFFFFE003, lr  }
0x1b: {  	s9 =	sadd.s32 $0xFFFFFEF7, lr;
	s5 =	simm.s32 $0xFFFFFFFF;
	p2 =	slt.u32 s8, $0xFFFFF086  }
0x1c: {  	p1 =	slt.u32 s9, $0xF7A;
	s5 =	simm.s32 @!p2 $0x0  }
0x1d: {  	s5 =	simm.s32 @p1 $0x1;
	p0 =	seq.s32 s7, s2  }
0x1e: {  	s7 =	smul.u32 @!p0 $0xF7A, s2;
	p2 =	seq.s32 @!p0 s5, $0x0  }
0x1f: {  	s9 =	smul.u32 $0xF7A, s1;
	s8 =	simm.s32 @!p0 $0x1BF5;
	p2 =	por !p2, p0  }
0x20: {  	[sflag:s8] =	ssyncset.s32 @!p0 $0xFFFFF086;
	s6 =	sadd.s32 @!p0 s3, s7;
	s7 =	simm.s32 @!p0 $0x108  }
0x21: {  	s3 =	sadd.s32 s3, s9;
	s6 =	sadd.s32 @!p0 $0x88, s6;
	s7 =	simm.s32 @p2 $0x1082  }
0x22: {  	[simem:s7], [sflag:s8] =	dma.local @!p0 [hbm:s6], $0xF7A  }
0x23: {  	s9 =	sor.u32 $0xD0000000, s2;
	s6 =	simm.s32 $0x108;
	_ =	swait.ge @!p0 [sflag:s8], $0x0  }
0x24: {  	s3 =	sadd.s32 $0x88, s3;
	s6 =	simm.s32 @!p1 $0x1082;
	[sflag:s4] =	ssyncset.s32 $0xFFFFF086  }
0x25: {  	[simem:s6], [sflag:s4] =	dma.local [hbm:s3], $0xF7A  }
0x26: {  	[smem:$0x3FA0] =	sst s1;
	(tag) =	ssettag s2;
	_ =	strace s9  }
0x27: {  	s1 =	sld [smem:$0x3FB0]  }
0x28: {  	s2 =	sld [smem:$0x3FB1]  }
0x29: {  	s4 =	sld [smem:$0x3FB3]  }
0x2a: {  	p0 =	seq.s32 s5, $0x0;
	s5 =	sld [smem:$0x3FB4]  }
0x2b: {  	s6 =	sld [smem:$0x3FB5]  }
0x2c: {  	s7 =	sld [smem:$0x3FB6]  }
0x2d: {  	s3 =	simm.s32 $0x108;
	s8 =	sld [smem:$0x3FB7]  }
0x2e: {  	s3 =	simm.s32 @!p0 $0x1082;
	s9 =	sld [smem:$0x3FB8]  }
0x2f: {  	lr =	sadd.s32 s0, s3;
	s0 =	sld [smem:$0x3FAF]  }
0x30: {  	s3 =	sld [smem:$0x3FB2]  }
0x31: {  	[smem:$0x3FBB] =	sst s10  }
0x32: {  	s10 =	sld [smem:$0x3FB9];
	_ =	sdelay $0x3  }
0x33: {  	p0 =	seq.s32 s10, $0x1;
	s10 =	sld [smem:$0x3FBB];
	_ =	sdelay $0x3  }
0x34: {  	[smem:$0x3FBB] =	sst s10  }
0x35: {  	s10 =	sld [smem:$0x3FBA];
	_ =	sdelay $0x3  }
0x36: {  	p1 =	seq.s32 s10, $0x1;
	s10 =	sld [smem:$0x3FBB];
	_ =	sdelay $0x3  }
0x37: {  	[smem:$0x3FBB] =	sst s10  }
0x38: {  	s10 =	sld [smem:$0x3FBC]  }
0x39: {  	_ = 	snop;
	(pc) =	sbr.ind lr, $3  }
0x3a: {  	_ = 	snop  }
0x3b: {  	_ = 	snop  }
0x3c: {  	p2 =	seq.s32 s10, $0x1;
	s10 =	sld [smem:$0x3FBB]  }
0x3d: {  	_ =	shalt  }
0x3e: {  	_ =	shalt  }
0x3f: {  	_ =	shalt  }
0x40: {  	_ =	shalt  }
0x41: {  	_ =	shalt  }
0x42: {  	_ =	shalt  }
0x43: {  	_ =	shalt  }
0x44: {  	_ =	shalt  }
0x45: {  	_ =	shalt  }
0x46: {  	_ =	shalt  }
0x47: {  	_ =	shalt  }
0x48: {  	_ =	shalt  }
0x49: {  	_ =	shalt  }
0x4a: {  	_ =	shalt  }
0x4b: {  	_ =	shalt  }
0x4c: {  	_ =	shalt  }
0x4d: {  	_ =	shalt  }
0x4e: {  	_ =	shalt  }
0x4f: {  	_ =	shalt  }
0x50: {  	_ =	shalt  }
0x51: {  	_ =	shalt  }
0x52: {  	_ =	shalt  }
0x53: {  	_ =	shalt  }
0x54: {  	_ =	shalt  }
0x55: {  	_ =	shalt  }
0x56: {  	_ =	shalt  }
0x57: {  	_ =	shalt  }
0x58: {  	_ =	shalt  }
0x59: {  	_ =	shalt  }
0x5a: {  	_ =	shalt  }
0x5b: {  	_ =	shalt  }
0x5c: {  	_ =	shalt  }
0x5d: {  	_ =	shalt  }
0x5e: {  	_ =	shalt  }
0x5f: {  	_ =	shalt  }
0x60: {  	_ =	shalt  }
0x61: {  	_ =	shalt  }
0x62: {  	_ =	shalt  }
0x63: {  	_ =	shalt  }
0x64: {  	_ =	shalt  }
0x65: {  	_ =	shalt  }
0x66: {  	_ =	shalt  }
0x67: {  	_ =	shalt  }
0x68: {  	_ =	shalt  }
0x69: {  	_ =	shalt  }
0x6a: {  	_ =	shalt  }
0x6b: {  	_ =	shalt  }
0x6c: {  	_ =	shalt  }
0x6d: {  	_ =	shalt  }
0x6e: {  	_ =	shalt  }
0x6f: {  	_ =	shalt  }
0x70: {  	_ =	shalt  }
0x71: {  	_ =	shalt  }
0x72: {  	_ =	shalt  }
0x73: {  	_ =	shalt  }
0x74: {  	_ =	shalt  }
0x75: {  	_ =	shalt  }
0x76: {  	_ =	shalt  }
0x77: {  	_ =	shalt  }
0x78: {  	_ =	shalt  }
0x79: {  	_ =	shalt  }
0x7a: {  	_ =	shalt  }
0x7b: {  	_ =	shalt  }
0x7c: {  	_ =	shalt  }
0x7d: {  	_ =	shalt  }
0x7e: {  	_ =	shalt  }
0x7f: {  	_ =	shalt  }
0x80: {  	_ =	shalt  }
0x81: {  	_ =	shalt  }
0x82: {  	_ =	shalt  }
0x83: {  	_ =	shalt  }
0x84: {  	_ =	shalt  }
0x85: {  	_ =	shalt  }
0x86: {  	_ =	shalt  }
0x87: {  	_ =	shalt  }
.Lfunc_end0:
.L_simem_size_0:
called_computation_lowered:
.L_overlay_start_0:
0x88: {  	s2 =	sld [smem:$0x3FD9]  }
0x89: {  	s3 =	sld [smem:$0x3FFE];
	_ =	sdelay $0x1  }
0x8a: {  	s1 =	srdreg.scid  }
0x8b: {  	s0 =	sand.u32 $0x1, s1  }
0x8c: {  	s18 =	sshll.u32 s0, $0xA;
	s2 =	sadd.s32 s3, s2  }
0x8d: {  	s2 =	sadd.s32 s2, s18  }
0x8e: {  	[smem:$0x3FC7] =	sst s2  }
0x8f: {  	_ = 	snop  }
0x90: {  	s2 =	sld [smem:$0x3FC9]  }
0x91: {  	s19 =	sld [smem:$0x3FD0];
	(tm) =	ssettm $0x1  }
0x92: {  	s4 =	sld [smem:$0x3FFB];
	_ =	sdelay $0x3  }
0x93: {  	_ =	strace s4  }
0x94: {  	s4 =	sld [smem:$0x3FFC];
	_ =	sdelay $0x3  }
0x95: {  	_ =	strace s4  }
0x96: {  	s4 =	sld [smem:$0x3FFD];
	_ =	sdelay $0x3  }
0x97: {  	_ =	strace s4  }
0x98: {  	_ =	strace $0x8FFFFFFF  }
0x99: {  	s20 =	sld [smem:$0x3FDB];
	_ =	sdelay $0x1  }
0x9a: {  	s5 =	simm.s32 $_scs_section_size  }
0x9b: {  	s6 =	simm.s32 $_size__tile_overlayer_lowered;
	s7 =	simm.s32 $_tile_overlayer_lowered  }
0x9c: {  	s23 =	simm.s32 $0x1BFF;
	s22 =	sshll.u32 s7, $0x1;
	s4 =	sadd.s32 s5, s20  }
0x9d: {  	s8 =	simm.s32 $0x0;
	s21 =	sshll.u32 s6, $0x1;
	s6 =	sadd.s32 s22, s4  }
0x9e: {  	[timem:s8], [sflag:s23] =	dma.local [hbm:s6], s21  }
0x9f: {  	_ =	swait.ge [sflag:s23], s21  }
0xa0: {  	s5 =	ssub.s32 $0x0, s21;
	[sflag:s23] =	ssyncset.done $0x0  }
0xa1: {  	[sflag:s23] =	ssyncadd.s32 s5;
	_ =	sdelay $0x1  }
0xa2: {  	s24 =	simm.s32 $0x1B8B  }
0xa3: {  	_ =	swait.ge [sflag:s24], $0x1  }
0xa4: {  	[sflag:s24] =	ssyncset.done $0x0  }
0xa5: {  	s25 =	simm.s32 $0x1B8E;
	[sflag:s24] =	ssyncadd.s32 $0xFFFFFFFF  }
0xa6: {  	s26 =	simm.s32 $execute0_lowered;
	[smem:$0x3FD2] =	sst s25  }
0xa7: {  	s5 =	sshll.u32 s26, $0x1;
	_ =	strace $0x80000046;
	[dreg:$0x1] =	wrdreg $0xFFFFFFFF  }
0xa8: {  	s28 =	simm.s32 $_size_execute0_lowered;
	s4 =	sadd.s32 s4, s5;
	[dreg:$0x0] =	wrdreg $0x0  }
0xa9: {  	s5 =	sshll.u32 s28, $0x1;
	[dreg:$0x2] =	wrdreg s4  }
0xaa: {  	[dreg:$0x3] =	wrdreg s5  }
0xab: {  	[dreg:$0x4] =	wrdreg $0xC0  }
0xac: {  	_ =	task [dreg:s8], $0x5FFFF  }
0xad: {  	[dreg:$0x1] =	wrdreg $0xFFFFFFFF  }
0xae: {  	[dreg:$0x0] =	wrdreg $0x60  }
0xaf: {  	[dreg:$0x2] =	wrdreg s2  }
0xb0: {  	[dreg:$0x3] =	wrdreg s19  }
0xb1: {  	[dreg:$0x4] =	wrdreg $0x9  }
0xb2: {  	_ =	task.clear_ibuf [dreg:s8], $0x5FFFF;
	_ =	strace $0x90000046  }
0xb3: {  	s29 =	simm.s32 $0x9;
	_ =	strace $0x80000048  }
0xb4: {  	_ =	swait.ge [sflag:s29], $0x1  }
0xb5: {  	[sflag:s29] =	ssyncadd.s32 $0xFFFFFFFF  }
0xb6: {  	_ =	strace $0x90000048  }
0xb7: {  	_ =	sfence  }
0xb8: {  	s30 =	sld [smem:$0x0];
	_ =	sdelay $0x2  }
0xb9: {  	s31 =	sshll.u32 s1, $0xD;
	s1 =	sshrl.u32 s1, $0x2  }
0xba: {  	s3 =	sand.u32 $0x4000, s31;
	s1 =	sadd.s32 s1, s30  }
0xbb: {  	s0 =	sor.u32 s3, s0;
	s1 =	sshll.u32 s1, $0x11  }
0xbc: {  	s0 =	sor.u32 s1, s0  }
0xbd: {  	s0 =	sadd.s32 $0x8F2B, s0  }
0xbe: {  	[sflag:s0] =	ssyncadd.remote.s32 $0x1  }
0xbf: {  	_ =	sfence.sel $0xFFFF  }
0xc0: {  	[dreg:$0x0] =	wrdreg $0xFFFFFFFF;
	(pc) =	sbr.abs _section_cstart, $3  }
0xc1: {  	[dreg:$0x1] =	wrdreg $0xFFFFFFFF  }
0xc2: {  	_ =	task.clear_ibuf [dreg:s8], $0x2FFFF;
	_ =	strace $0x9FFFFFFF  }
0xc3: {  	(tm) =	ssettm $0x7FFFFFFF  }
tec
execute0_lowered:
.L_overlay_start_1:
0x0: {  	(tag) =	ssettag $0x1  }
0x1: {  	s2 =	rddreg [dreg:$0x0]  }
0x2: {  	s8 =	rddreg [dreg:$0x1]  }
0x3: {  	s3 =	srdreg.scid;
	s0 =	rddreg [dreg:$0x2]  }
0x4: {  	s1 =	stileid.u32;
	s12 =	simm.s32 $0x4000;
	s13 =	simm.s32 $0x8000  }
0x5: {  	s14 =	simm.s32 $0xC000;
	s15 =	simm.s32 $0x1;
	s16 =	simm.s32 $0x2  }
0x6: {  	s17 =	simm.s32 $0x10000;
	s18 =	simm.s32 $0x3;
	s19 =	simm.s32 $0x10010  }
0x7: {  	s20 =	simm.s32 $0x0;
	s25 =	simm.s32 $0x0;
	s4 =	sand.u32 $0x1, s3  }
0x8: {  	s3 =	simm.s32 $0x0;
	s6 =	sshll.u32 s1, $0x1;
	s5 =	ssub.s32 $0x2, s4  }
0x9: {  	[smem:$0x7FF] =	sst s3;
	s6 =	sor.u32 s4, s6;
	s7 =	sshrl.u32 s5, $0x1  }
0xa: {  	_ =	strace $0x80000047;
	s31 =	sshll.u32 s6, $0x11;
	s4 =	sshll.u32 s6, $0x14  }
0xb: {  	s9 =	sshll.u32 s6, $0x1;
	s11 =	ssub.s32 s5, s7;
	s5 =	sadd.s32 s2, s31  }
0xc: {  	s7 =	sadd.s32 $0x1000, s2;
	s8 =	sadd.s32 s8, s9;
	s9 =	sadd.s32 $0x1800, s2  }
0xd: {  	s6 =	sadd.s32 $0x800, s5;
	s10 =	sadd.s32 $0x40, s8;
	s11 =	smax.u32 s11, $0x1  }
.LBB2_1:
0xe: {  	[tilespmem:s3], [sflag:$0x1] =	stream.linear.gather [hbm4b:s5+s3], $0x4000, $0x38;
	v2 =	vimm.f32 $+Inf;
	v0 =	vimm.f32 $-Inf;
	[tilespmem:$0x10080] =	vst v63  }
0xf: {  	v3 =	vimm.f32 $-Inf;
	v1 =	vimm.f32 $+Inf;
	v4 =	vimm.f32 $-Inf;
	s21 =	simm.s32 $0x0  }
0x10: {  	v6 =	vimm.f32 $+Inf;
	v5 =	vimm.f32 $-Inf;
	v7 =	vimm.f32 $+Inf;
	[tilespmem:s12], [sflag:$0x1] =	stream.linear.gather [hbm4b:s6+s3], $0x4000, $0x38;
	[tilespmem:$0x10080] =	vst v63  }
.LBB2_2:
0x11: {  	s22 =	sshll.u32 s21, $0x10  }
0x12: {  	s22 =	sadd.s32 s4, s22  }
0x13: {  	s23 =	sshrl.u32 s22, $0x3  }
0x14: {  	s24 =	sadd.s32 s23, s7  }
0x15: {  	[tilespmem:s13], [sflag:$0x2] =	stream.linear.gather [hbm4b:s24+s25], $0x4000, $0x38;
	[tilespmem:$0x10080] =	vst v63  }
0x16: {  	s23 =	sadd.s32 s23, s9  }
0x17: {  	[tilespmem:s14], [sflag:$0x2] =	stream.linear.gather [hbm4b:s23+s25], $0x4000, $0x38;
	[tilespmem:$0x10080] =	vst v63  }
0x18: {  	_ =	swait.ge [sflag:s15], $0x8000  }
0x19: {  	[sflag:s15] =	ssyncset.done $0x0  }
0x1a: {  	s23 =	simm.s32 $0x0;
	[sflag:s15] =	ssyncadd.s32 $0xFFFF8000  }
0x1b: {  	v9 =	vld [tilespmem:s23+$0x40]  }
0x1c: {  	v12 =	vld [tilespmem:s23+$0x50]  }
0x1d: {  	v14 =	vld [tilespmem:s23+$0x0]  }
0x1e: {  	v13 =	vld [tilespmem:s23+$0x10]  }
0x1f: {  	v10 =	vld [tilespmem:s23+$0x20]  }
0x20: {  	s24 =	simm.s32 $0x200;
	v8 =	vld [tilespmem:s23+$0x60]  }
.LBB2_3:
0x21: {  	p0 =	sne.s32 s24, $0x1FE00;
	v11 =	vld [tilespmem:s23+$0x30];
	v15 =	vmov v12  }
0x22: {  	v7 =	vmin.f32 v7, v14;
	v5 =	vmax.f32 v5, v14;
	v16 =	vld [tilespmem:s23+$0x70];
	s23 =	sshra.s32 s24, $0x2  }
0x23: {  	v7 =	vmin.f32 v7, v9;
	v5 =	vmax.f32 v5, v9;
	v9 =	vld [tilespmem:s23+$0x40]  }
.Ltmp0:
0x24: {  	v6 =	vmin.f32 v6, v13;
	v4 =	vmax.f32 v4, v13;
	v12 =	vld [tilespmem:s23+$0x50];
	v1 =	vmin.f32 v1, v10;
	(pc) =	sbr.rel @p0 .LBB2_3-.Ltmp0, $4  }
0x25: {  	v6 =	vmin.f32 v6, v15;
	v4 =	vmax.f32 v4, v15;
	v14 =	vld [tilespmem:s23+$0x0];
	v1 =	vmin.f32 v1, v8  }
0x26: {  	v3 =	vmax.f32 v3, v10;
	v13 =	vld [tilespmem:s23+$0x10];
	v2 =	vmin.f32 v2, v11;
	v0 =	vmax.f32 v0, v11  }
0x27: {  	v3 =	vmax.f32 v3, v8;
	v10 =	vld [tilespmem:s23+$0x20];
	v2 =	vmin.f32 v2, v16;
	v0 =	vmax.f32 v0, v16  }
0x28: {  	s24 =	sadd.s32 $0x200, s24;
	v8 =	vld [tilespmem:s23+$0x60]  }
0x29: {  	p0 =	seq.s32 s21, $0xF  }
0x2a: {  	s22 =	sshrl.u32 @!p0 s22, $0x3  }
0x2b: {  	v15 =	vld [tilespmem:s23+$0x30];
	s22 =	sadd.s32 @!p0 s2, s22  }
0x2c: {  	v16 =	vld [tilespmem:s23+$0x70];
	s24 =	simm.s32 @!p0 $0x0;
	s23 =	sadd.s32 @!p0 $0x2000, s22  }
0x2d: {  	[tilespmem:s24], [sflag:$0x1] =	stream.linear.gather @!p0 [hbm4b:s23+s24], $0x4000, $0x38;
	[tilespmem:$0x10080] =	vst v63  }
0x2e: {  	s22 =	sadd.s32 @!p0 $0x2800, s22;
	s23 =	simm.s32 @!p0 $0x4000  }
0x2f: {  	[tilespmem:s23], [sflag:$0x1] =	stream.linear.gather @!p0 [hbm4b:s22+s24], $0x4000, $0x38;
	[tilespmem:$0x10080] =	vst v63  }
0x30: {  	_ =	swait.ge [sflag:s16], $0x8000  }
0x31: {  	[sflag:s16] =	ssyncset.done $0x0  }
0x32: {  	s22 =	simm.s32 $0x0;
	[sflag:s16] =	ssyncadd.s32 $0xFFFF8000  }
0x33: {  	v7 =	vmin.f32 v7, v14;
	v11 =	vld [tilespmem:s22+$0x8040]  }
0x34: {  	v17 =	vmax.f32 v5, v14;
	v5 =	vmin.f32 v7, v9;
	v6 =	vmin.f32 v6, v13;
	v14 =	vld [tilespmem:s22+$0x8050]  }
0x35: {  	v7 =	vmax.f32 v17, v9;
	v9 =	vmax.f32 v4, v13;
	v4 =	vmin.f32 v6, v12;
	v13 =	vld [tilespmem:s22+$0x8000]  }
0x36: {  	v6 =	vmax.f32 v9, v12;
	v1 =	vmin.f32 v1, v10;
	v3 =	vmax.f32 v3, v10;
	v10 =	vld [tilespmem:s22+$0x8010]  }
0x37: {  	v1 =	vmin.f32 v1, v8;
	v2 =	vmin.f32 v2, v15;
	v9 =	vmax.f32 v0, v15;
	v0 =	vld [tilespmem:s22+$0x8020]  }
0x38: {  	v3 =	vmax.f32 v3, v8;
	v8 =	vmin.f32 v2, v16;
	v9 =	vmax.f32 v9, v16;
	s23 =	simm.s32 $0x200;
	v2 =	vld [tilespmem:s22+$0x8060]  }
.LBB2_5:
0x39: {  	p0 =	sne.s32 s23, $0x1FE00;
	v12 =	vld [tilespmem:s22+$0x8030];
	v15 =	vmov v14  }
0x3a: {  	v5 =	vmin.f32 v5, v13;
	v7 =	vmax.f32 v7, v13;
	v16 =	vld [tilespmem:s22+$0x8070];
	s22 =	sshra.s32 s23, $0x2  }
0x3b: {  	v5 =	vmin.f32 v5, v11;
	v7 =	vmax.f32 v7, v11;
	v11 =	vld [tilespmem:s22+$0x8040]  }
.Ltmp1:
0x3c: {  	v4 =	vmin.f32 v4, v10;
	v6 =	vmax.f32 v6, v10;
	v14 =	vld [tilespmem:s22+$0x8050];
	v1 =	vmin.f32 v1, v0;
	(pc) =	sbr.rel @p0 .LBB2_5-.Ltmp1, $4  }
0x3d: {  	v4 =	vmin.f32 v4, v15;
	v6 =	vmax.f32 v6, v15;
	v13 =	vld [tilespmem:s22+$0x8000];
	v1 =	vmin.f32 v1, v2  }
0x3e: {  	v3 =	vmax.f32 v3, v0;
	v10 =	vld [tilespmem:s22+$0x8010];
	v8 =	vmin.f32 v8, v12;
	v9 =	vmax.f32 v9, v12  }
0x3f: {  	v3 =	vmax.f32 v3, v2;
	v0 =	vld [tilespmem:s22+$0x8020];
	v8 =	vmin.f32 v8, v16;
	v9 =	vmax.f32 v9, v16  }
0x40: {  	s23 =	sadd.s32 $0x200, s23;
	v2 =	vld [tilespmem:s22+$0x8060]  }
0x41: {  	v12 =	vld [tilespmem:s22+$0x8030];
	s21 =	sadd.s32 $0x1, s21  }
0x42: {  	v15 =	vld [tilespmem:s22+$0x8070];
	v5 =	vmin.f32 v5, v13;
	v62 =	vmax.f32 v7, v13;
	p0 =	sne.s32 s21, $0x10  }
.Ltmp2:
0x43: {  	v7 =	vmin.f32 v5, v11;
	v5 =	vmax.f32 v62, v11;
	(pc) =	sbr.rel @p0 .LBB2_2-.Ltmp2, $4  }
0x44: {  	v4 =	vmin.f32 v4, v10;
	v63 =	vmax.f32 v6, v10;
	v1 =	vmin.f32 v1, v0  }
0x45: {  	v6 =	vmin.f32 v4, v14;
	v4 =	vmax.f32 v63, v14;
	v0 =	vmax.f32 v3, v0  }
0x46: {  	v1 =	vmin.f32 v1, v2;
	v8 =	vmin.f32 v8, v12;
	v9 =	vmax.f32 v9, v12  }
0x47: {  	v3 =	vmax.f32 v0, v2;
	v2 =	vmin.f32 v8, v15;
	v0 =	vmax.f32 v9, v15  }
0x48: {  	v6 =	vmin.f32 v7, v6;
	v1 =	vmin.f32 v1, v2  }
0x49: {  	v63 =	vmax.f32 v5, v4;
	v0 =	vmax.f32 v3, v0;
	v1 =	vmin.f32 v6, v1  }
0x4a: {  	v0 =	vmax.f32 v63, v0;
	[tilespmem:$0x10000] =	vst v1  }
0x4b: {  	[tilespmem:$0x10010] =	vst v0  }
0x4c: {  	[hbm4b:s8+s3] =	stream.linear.scatter [tilespmem:s17], [sflag:$0x3], $0x10, $0x38;
	[tilespmem:$0x10080] =	vst v63  }
0x4d: {  	s20 =	sadd.s32 $0x1, s20;
	_ =	swait.ge [sflag:s18], $0x10  }
0x4e: {  	p0 =	sne.s32 s20, s11;
	[sflag:s18] =	ssyncset.done $0x0  }
.Ltmp3:
0x4f: {  	[sflag:s18] =	ssyncadd.s32 $0xFFFFFFF0;
	(pc) =	sbr.rel @p0 .LBB2_1-.Ltmp3, $4  }
0x50: {  	[hbm4b:s10+s3] =	stream.linear.scatter [tilespmem:s19], [sflag:$0x3], $0x10, $0x38;
	[tilespmem:$0x10080] =	vst v63  }
0x51: {  	_ =	swait.ge [sflag:s18], $0x10  }
0x52: {  	[sflag:s18] =	ssyncset.done $0x0  }
0x53: {  	[sflag:s18] =	ssyncadd.s32 $0xFFFFFFF0  }
0x54: {  	_ =	sfence.sel $0x180000  }
0x55: {  	[bflag:$0x0] =	sbarrier.arrive $0xFFFF  }
0x56: {  	p0 =	sne.s32 s1, $0x0;
	_ =	strace $0x90000047  }
0x57: {  	s0 =	sadd.s32 @!p0 $0x100000, s0;
	[bflag:$0x2] =	sbarrier.arrive $0xFFFF  }
0x58: {  	[sflag:s0] =	ssyncadd.tile.s32 @!p0 $0x1;
	_ =	shalt  }
.Lfunc_end2:
_tile_overlayer_lowered:
.L_overlay_start_2:
0x59: {  	(tag) =	ssettag $0x2  }
0x5a: {  	s0 =	rddreg [dreg:$0x0];
	s2 =	stileid.u32  }
0x5b: {  	s1 =	rddreg [dreg:$0x1];
	p0 =	sne.s32 s2, $0x0  }
0x5c: {  	s3 =	rddreg [dreg:$0x2];
	[bflag:$0x3] =	sbarrier.arrive $0xFFFF;
	s2 =	simm.s32 @!p0 $0x1C03  }
0x5d: {  	[timem:s3], [sflag:s2] =	dma.local @!p0 [hbm:s0], s1  }
0x5e: {  	s0 =	simm.s32 @!p0 $0x3  }
0x5f: {  	_ =	swait.ge @!p0 [sflag:s0], s1  }
0x60: {  	s1 =	ssub.s32 @!p0 $0x0, s1;
	[sflag:s0] =	ssyncset.done @!p0 $0x0  }
0x61: {  	[sflag:s0] =	ssyncadd.s32 @!p0 s1  }
0x62: {  	[bflag:$0x3] =	sbarrier.arrive $0xFFFF  }
0x63: {  	_ =	shalt  }

// kernel: kernel.7.cloned.1.call-start
scs
__scs_entry_jumppad:
0x0: {  	(pc) =	sbr.rel $0x88, $3  }
0x1: {  	(tag) =	ssettag $0x0;
	lr =	simm.s32 $0x1  }
0x2: {  	[smem:$0x3FA0] =	sst lr;
	_ =	strace $0xD0000000  }
0x3: {  	_ = 	snop  }
0x4: {  	_ = 	snop  }
0x5: {  	_ = 	snop  }
0x6: {  	_ = 	snop  }
0x7: {  	_ = 	snop  }
__scs_overlays_trampoline_lowered:
0x8: {  	[smem:$0x3FAF] =	sst s0  }
0x9: {  	[smem:$0x3FB0] =	sst s1  }
0xa: {  	[smem:$0x3FB1] =	sst s2  }
0xb: {  	[smem:$0x3FB2] =	sst s3  }
0xc: {  	[smem:$0x3FB3] =	sst s4  }
0xd: {  	[smem:$0x3FB4] =	sst s5  }
0xe: {  	[smem:$0x3FB5] =	sst s6  }
0xf: {  	[smem:$0x3FB6] =	sst s7  }
0x10: {  	[smem:$0x3FB7] =	sst s8  }
0x11: {  	[smem:$0x3FB8] =	sst s9;
	s0 =	simm.s32 @!p0 $0x0  }
0x12: {  	s1 =	sld [smem:$0x3F9E];
	s0 =	simm.s32 @p0 $0x1  }
0x13: {  	[smem:$0x3FB9] =	sst s0;
	s0 =	simm.s32 @!p1 $0x0  }
0x14: {  	s2 =	sld [smem:$0x3F9D];
	s0 =	simm.s32 @p1 $0x1  }
0x15: {  	[smem:$0x3FBA] =	sst s0;
	s0 =	simm.s32 @!p2 $0x0  }
0x16: {  	s3 =	sld [smem:$0x3FDB];
	s0 =	simm.s32 @p2 $0x1  }
0x17: {  	s4 =	simm.s32 $0x1BF5;
	[smem:$0x3FBC] =	sst s0  }
0x18: {  	s0 =	sld [smem:$0x3F9F];
	_ =	swait.ge [sflag:s4], $0x0  }
0x19: {  	s7 =	sld [smem:$0x3FA0]  }
0x1a: {  	s8 =	sadd.s32 $0xFFFFE003, lr  }
0x1b: {  	s9 =	sadd.s32 $0xFFFFFEF7, lr;
	s5 =	simm.s32 $0xFFFFFFFF;
	p2 =	slt.u32 s8, $0xFFFFF086  }
0x1c: {  	p1 =	slt.u32 s9, $0xF7A;
	s5 =	simm.s32 @!p2 $0x0  }
0x1d: {  	s5 =	simm.s32 @p1 $0x1;
	p0 =	seq.s32 s7, s2  }
0x1e: {  	s7 =	smul.u32 @!p0 $0xF7A, s2;
	p2 =	seq.s32 @!p0 s5, $0x0  }
0x1f: {  	s9 =	smul.u32 $0xF7A, s1;
	s8 =	simm.s32 @!p0 $0x1BF5;
	p2 =	por !p2, p0  }
0x20: {  	[sflag:s8] =	ssyncset.s32 @!p0 $0xFFFFF086;
	s6 =	sadd.s32 @!p0 s3, s7;
	s7 =	simm.s32 @!p0 $0x108  }
0x21: {  	s3 =	sadd.s32 s3, s9;
	s6 =	sadd.s32 @!p0 $0x88, s6;
	s7 =	simm.s32 @p2 $0x1082  }
0x22: {  	[simem:s7], [sflag:s8] =	dma.local @!p0 [hbm:s6], $0xF7A  }
0x23: {  	s9 =	sor.u32 $0xD0000000, s2;
	s6 =	simm.s32 $0x108;
	_ =	swait.ge @!p0 [sflag:s8], $0x0  }
0x24: {  	s3 =	sadd.s32 $0x88, s3;
	s6 =	simm.s32 @!p1 $0x1082;
	[sflag:s4] =	ssyncset.s32 $0xFFFFF086  }
0x25: {  	[simem:s6], [sflag:s4] =	dma.local [hbm:s3], $0xF7A  }
0x26: {  	[smem:$0x3FA0] =	sst s1;
	(tag) =	ssettag s2;
	_ =	strace s9  }
0x27: {  	s1 =	sld [smem:$0x3FB0]  }
0x28: {  	s2 =	sld [smem:$0x3FB1]  }
0x29: {  	s4 =	sld [smem:$0x3FB3]  }
0x2a: {  	p0 =	seq.s32 s5, $0x0;
	s5 =	sld [smem:$0x3FB4]  }
0x2b: {  	s6 =	sld [smem:$0x3FB5]  }
0x2c: {  	s7 =	sld [smem:$0x3FB6]  }
0x2d: {  	s3 =	simm.s32 $0x108;
	s8 =	sld [smem:$0x3FB7]  }
0x2e: {  	s3 =	simm.s32 @!p0 $0x1082;
	s9 =	sld [smem:$0x3FB8]  }
0x2f: {  	lr =	sadd.s32 s0, s3;
	s0 =	sld [smem:$0x3FAF]  }
0x30: {  	s3 =	sld [smem:$0x3FB2]  }
0x31: {  	[smem:$0x3FBB] =	sst s10  }
0x32: {  	s10 =	sld [smem:$0x3FB9];
	_ =	sdelay $0x3  }
0x33: {  	p0 =	seq.s32 s10, $0x1;
	s10 =	sld [smem:$0x3FBB];
	_ =	sdelay $0x3  }
0x34: {  	[smem:$0x3FBB] =	sst s10  }
0x35: {  	s10 =	sld [smem:$0x3FBA];
	_ =	sdelay $0x3  }
0x36: {  	p1 =	seq.s32 s10, $0x1;
	s10 =	sld [smem:$0x3FBB];
	_ =	sdelay $0x3  }
0x37: {  	[smem:$0x3FBB] =	sst s10  }
0x38: {  	s10 =	sld [smem:$0x3FBC]  }
0x39: {  	_ = 	snop;
	(pc) =	sbr.ind lr, $3  }
0x3a: {  	_ = 	snop  }
0x3b: {  	_ = 	snop  }
0x3c: {  	p2 =	seq.s32 s10, $0x1;
	s10 =	sld [smem:$0x3FBB]  }
0x3d: {  	_ =	shalt  }
0x3e: {  	_ =	shalt  }
0x3f: {  	_ =	shalt  }
0x40: {  	_ =	shalt  }
0x41: {  	_ =	shalt  }
0x42: {  	_ =	shalt  }
0x43: {  	_ =	shalt  }
0x44: {  	_ =	shalt  }
0x45: {  	_ =	shalt  }
0x46: {  	_ =	shalt  }
0x47: {  	_ =	shalt  }
0x48: {  	_ =	shalt  }
0x49: {  	_ =	shalt  }
0x4a: {  	_ =	shalt  }
0x4b: {  	_ =	shalt  }
0x4c: {  	_ =	shalt  }
0x4d: {  	_ =	shalt  }
0x4e: {  	_ =	shalt  }
0x4f: {  	_ =	shalt  }
0x50: {  	_ =	shalt  }
0x51: {  	_ =	shalt  }
0x52: {  	_ =	shalt  }
0x53: {  	_ =	shalt  }
0x54: {  	_ =	shalt  }
0x55: {  	_ =	shalt  }
0x56: {  	_ =	shalt  }
0x57: {  	_ =	shalt  }
0x58: {  	_ =	shalt  }
0x59: {  	_ =	shalt  }
0x5a: {  	_ =	shalt  }
0x5b: {  	_ =	shalt  }
0x5c: {  	_ =	shalt  }
0x5d: {  	_ =	shalt  }
0x5e: {  	_ =	shalt  }
0x5f: {  	_ =	shalt  }
0x60: {  	_ =	shalt  }
0x61: {  	_ =	shalt  }
0x62: {  	_ =	shalt  }
0x63: {  	_ =	shalt  }
0x64: {  	_ =	shalt  }
0x65: {  	_ =	shalt  }
0x66: {  	_ =	shalt  }
0x67: {  	_ =	shalt  }
0x68: {  	_ =	shalt  }
0x69: {  	_ =	shalt  }
0x6a: {  	_ =	shalt  }
0x6b: {  	_ =	shalt  }
0x6c: {  	_ =	shalt  }
0x6d: {  	_ =	shalt  }
0x6e: {  	_ =	shalt  }
0x6f: {  	_ =	shalt  }
0x70: {  	_ =	shalt  }
0x71: {  	_ =	shalt  }
0x72: {  	_ =	shalt  }
0x73: {  	_ =	shalt  }
0x74: {  	_ =	shalt  }
0x75: {  	_ =	shalt  }
0x76: {  	_ =	shalt  }
0x77: {  	_ =	shalt  }
0x78: {  	_ =	shalt  }
0x79: {  	_ =	shalt  }
0x7a: {  	_ =	shalt  }
0x7b: {  	_ =	shalt  }
0x7c: {  	_ =	shalt  }
0x7d: {  	_ =	shalt  }
0x7e: {  	_ =	shalt  }
0x7f: {  	_ =	shalt  }
0x80: {  	_ =	shalt  }
0x81: {  	_ =	shalt  }
0x82: {  	_ =	shalt  }
0x83: {  	_ =	shalt  }
0x84: {  	_ =	shalt  }
0x85: {  	_ =	shalt  }
0x86: {  	_ =	shalt  }
0x87: {  	_ =	shalt  }
.Lfunc_end0:
.L_simem_size_0:
called_computation.1_lowered:
.L_overlay_start_0:
0x88: {  	s2 =	sld [smem:$0x3FD9]  }
0x89: {  	s3 =	sld [smem:$0x3FFE];
	_ =	sdelay $0x1  }
0x8a: {  	s1 =	srdreg.scid  }
0x8b: {  	s0 =	sand.u32 $0x1, s1  }
0x8c: {  	s17 =	sshll.u32 s0, $0xA;
	s2 =	sadd.s32 s3, s2  }
0x8d: {  	s2 =	sadd.s32 s2, s17  }
0x8e: {  	[smem:$0x3FC7] =	sst s2  }
0x8f: {  	_ = 	snop  }
0x90: {  	s2 =	sld [smem:$0x3FC9]  }
0x91: {  	s18 =	sld [smem:$0x3FD0];
	(tm) =	ssettm $0x1  }
0x92: {  	s4 =	sld [smem:$0x3FFB];
	_ =	sdelay $0x3  }
0x93: {  	_ =	strace s4  }
0x94: {  	s4 =	sld [smem:$0x3FFC];
	_ =	sdelay $0x3  }
0x95: {  	_ =	strace s4  }
0x96: {  	s4 =	sld [smem:$0x3FFD];
	_ =	sdelay $0x3  }
0x97: {  	_ =	strace s4  }
0x98: {  	_ =	strace $0x8FFFFFFF  }
0x99: {  	s19 =	sld [smem:$0x3FDB];
	_ =	sdelay $0x1  }
0x9a: {  	s5 =	simm.s32 $_scs_section_size  }
0x9b: {  	s6 =	simm.s32 $_size__tile_overlayer_lowered;
	s7 =	simm.s32 $_tile_overlayer_lowered  }
0x9c: {  	s22 =	simm.s32 $0x1BFF;
	s21 =	sshll.u32 s7, $0x1;
	s4 =	sadd.s32 s5, s19  }
0x9d: {  	s8 =	simm.s32 $0x0;
	s20 =	sshll.u32 s6, $0x1;
	s6 =	sadd.s32 s21, s4  }
0x9e: {  	[timem:s8], [sflag:s22] =	dma.local [hbm:s6], s20  }
0x9f: {  	_ =	swait.ge [sflag:s22], s20  }
0xa0: {  	s5 =	ssub.s32 $0x0, s20;
	[sflag:s22] =	ssyncset.done $0x0  }
0xa1: {  	[sflag:s22] =	ssyncadd.s32 s5;
	_ =	sdelay $0x1  }
0xa2: {  	s23 =	simm.s32 $0x1B8B  }
0xa3: {  	_ =	swait.ge [sflag:s23], $0x1  }
0xa4: {  	[sflag:s23] =	ssyncset.done $0x0  }
0xa5: {  	s25 =	simm.s32 $0x1B8E;
	s24 =	sld [smem:$0x3FFE];
	[sflag:s23] =	ssyncadd.s32 $0xFFFFFFFF  }
0xa6: {  	s26 =	simm.s32 $execute0_lowered;
	[smem:$0x3FD2] =	sst s25  }
0xa7: {  	s6 =	sshll.u32 s26, $0x1;
	_ =	strace $0x80000049;
	[dreg:$0x1] =	wrdreg $0xFFFFFFFF  }
0xa8: {  	s28 =	simm.s32 $_size_execute0_lowered;
	s4 =	sadd.s32 s4, s6;
	[dreg:$0x0] =	wrdreg $0x0  }
0xa9: {  	s6 =	sshll.u32 s28, $0x1;
	[dreg:$0x2] =	wrdreg s4  }
0xaa: {  	[dreg:$0x3] =	wrdreg s6  }
0xab: {  	[dreg:$0x4] =	wrdreg $0xC0  }
0xac: {  	_ =	task [dreg:s8], $0x5FFFF  }
0xad: {  	[dreg:$0x1] =	wrdreg $0xFFFFFFFF  }
0xae: {  	[dreg:$0x0] =	wrdreg $0x60  }
0xaf: {  	[dreg:$0x2] =	wrdreg s2  }
0xb0: {  	[dreg:$0x3] =	wrdreg s18  }
0xb1: {  	[dreg:$0x4] =	wrdreg s24  }
0xb2: {  	[dreg:$0x5] =	wrdreg $0x9  }
0xb3: {  	_ =	task.clear_ibuf [dreg:s8], $0x6FFFF;
	_ =	strace $0x90000049  }
0xb4: {  	s29 =	simm.s32 $0x9;
	_ =	strace $0x8000004B  }
0xb5: {  	_ =	swait.ge [sflag:s29], $0x1  }
0xb6: {  	[sflag:s29] =	ssyncadd.s32 $0xFFFFFFFF  }
0xb7: {  	_ =	strace $0x9000004B  }
0xb8: {  	_ =	sfence  }
0xb9: {  	s30 =	sld [smem:$0x0];
	_ =	sdelay $0x2  }
0xba: {  	s31 =	sshll.u32 s1, $0xD;
	s1 =	sshrl.u32 s1, $0x2  }
0xbb: {  	s3 =	sand.u32 $0x4000, s31;
	s1 =	sadd.s32 s1, s30  }
0xbc: {  	s0 =	sor.u32 s3, s0;
	s1 =	sshll.u32 s1, $0x11  }
0xbd: {  	s0 =	sor.u32 s1, s0  }
0xbe: {  	s0 =	sadd.s32 $0x8F2B, s0  }
0xbf: {  	[sflag:s0] =	ssyncadd.remote.s32 $0x1  }
0xc0: {  	_ =	sfence.sel $0xFFFF  }
0xc1: {  	[dreg:$0x0] =	wrdreg $0xFFFFFFFF;
	(pc) =	sbr.abs _section_cstart, $3  }
0xc2: {  	[dreg:$0x1] =	wrdreg $0xFFFFFFFF  }
0xc3: {  	_ =	task.clear_ibuf [dreg:s8], $0x2FFFF;
	_ =	strace $0x9FFFFFFF  }
0xc4: {  	(tm) =	ssettm $0x7FFFFFFF  }
0xc5: {  	_ =	shalt  }
tec
execute0_lowered:
.L_overlay_start_1:
0x0: {  	(tag) =	ssettag $0x1  }
0x1: {  	s2 =	rddreg [dreg:$0x0]  }
0x2: {  	s3 =	rddreg [dreg:$0x1]  }
0x3: {  	s5 =	rddreg [dreg:$0x2];
	s4 =	srdreg.scid  }
0x4: {  	s0 =	rddreg [dreg:$0x3];
	s6 =	sand.u32 $0x1, s4;
	s4 =	simm.s32 $0x0  }
0x5: {  	s1 =	stileid.u32;
	[smem:$0x7FF] =	sst s4  }
0x6: {  	v0 =	vimm.f32 $2.048000000e+03;
	s13 =	simm.s32 $0x4000;
	s14 =	simm.s32 $0x3;
	_ =	strace $0x8000004A  }
0x7: {  	s15 =	simm.s32 $0x8000;
	s16 =	simm.s32 $0xC000;
	s17 =	simm.s32 $0x1;
	(erf) = vrcp.f32 v0  }
0x8: {  	s18 =	simm.s32 $0x10000;
	s19 =	simm.s32 $0x2;
	s21 =	simm.s32 $0x400  }
0x9: {  	s22 =	simm.s32 $0x0;
	s7 =	sshll.u32 s1, $0x1;
	s28 =	sshrl.u32 s1, $0x2  }
0xa: {  	s9 =	sadd.s32 $0x1000, s2;
	s10 =	sadd.s32 $0x1800, s2;
	s20 =	sor.u32 s6, s7  }
0xb: {  	s7 =	smul.u32 $0x40400, s28;
	s29 =	ssub.s32 $0x2, s6;
	s8 =	sshll.u32 s20, $0x7  }
0xc: {  	s30 =	sshll.u32 s20, $0x11;
	s31 =	sshrl.u32 s29, $0x1;
	s8 =	sand.u32 $0x380, s8  }
0xd: {  	p0 =	sne.s32 s20, $0x0;
	s6 =	sadd.s32 s2, s30;
	s7 =	sor.u32 s7, s8  }
0xe: {  	s12 =	ssub.s32 s29, s31;
	s8 =	sadd.s32 $0x800, s6;
	s7 =	sshrl.u32 s7, $0x3  }
0xf: {  	v2 =	vlaneseq.u32;
	s12 =	smax.u32 s12, $0x1;
	s11 =	sadd.s32 s7, s5;
	s5 =	sadd.s32 $0x20600, s5  }
0x10: {  	v3 =	vimm.f32 $1.000000000e+00;
	v0 =	vimm.f32 $0.0e+00;
	vm0 =	vmmov @!p0 $0x1;
	s7 =	sshll.u32 s20, $0x14;
	s20 =	simm.s32 $0x80;
	s11 =	sadd.s32 $0x400, s11;
	v1 =	vpop (erf)  }
.LBB2_1:
0x11: {  	[tilespmem:s4], [sflag:$0x1] =	stream.linear.gather [hbm4b:s6+s4], $0x4000, $0x38;
	[tilespmem:$0x18480] =	vst v63  }
0x12: {  	_ = 	snop  }
0x13: {  	[tilespmem:s13], [sflag:$0x1] =	stream.linear.gather [hbm4b:s8+s4], $0x4000, $0x38;
	[tilespmem:$0x18480] =	vst v63  }
0x14: {  	s23 =	simm.s32 $0x18080  }
0x15: {  	[tilespmem:s23], [sflag:$0x3] =	stream.linear.gather [hbm4b:s3+s4], $0x400, $0x38;
	[tilespmem:$0x18480] =	vst v63  }
0x16: {  	_ =	swait.ge [sflag:s14], $0x400  }
0x17: {  	[sflag:s14] =	ssyncset.done $0x0  }
0x18: {  	s24 =	sand.u32 $0x1F0, s4;
	[sflag:s14] =	ssyncadd.s32 $0xFFFFFC00  }
0x19: {  	v5 =	vld [tilespmem:s24+$0x18280]  }
0x1a: {  	v4 =	vimm.f32 $+Inf;
	v6 =	vimm.f32 $-Inf;
	s24 =	simm.s32 $0x10;
	v7 =	vld [tilespmem:s23+$0x0]  }
.LBB2_2:
0x1b: {  	p1 =	sne.s32 s24, $0x1F0  }
.Ltmp0:
0x1c: {  	_ = 	snop;
	(pc) =	sbr.rel @p1 .LBB2_2-.Ltmp0, $4  }
0x1d: {  	_ = 	snop  }
0x1e: {  	s25 =	sand.u32 $0x1F0, s24  }
0x1f: {  	s24 =	sadd.s32 $0x10, s24;
	s23 =	sadd.s32 $0x10, s23;
	v6 =	vmax.f32 v6, v5;
	v5 =	vld [tilespmem:s25+$0x18280];
	v4 =	vmin.f32 v4, v7  }
0x20: {  	v7 =	vld [tilespmem:s23+$0x0]  }
0x21: {  	_ =	sdelay $0x3  }
0x22: {  	s23 =	simm.s32 $0x0;
	s24 =	simm.s32 $0x200;
	v5 =	vmax.f32 v6, v5;
	v4 =	vmin.f32 v4, v7  }
.LBB2_4:
0x23: {  	p1 =	sne.s32 s24, $0x20000;
	[tilespmem:s23+$0x10070] =	vst v0  }
0x24: {  	[tilespmem:s23+$0x10000] =	vst v0  }
0x25: {  	[tilespmem:s23+$0x10010] =	vst v0  }
.Ltmp1:
0x26: {  	[tilespmem:s23+$0x10020] =	vst v0;
	(pc) =	sbr.rel @p1 .LBB2_4-.Ltmp1, $4  }
0x27: {  	[tilespmem:s23+$0x10030] =	vst v0  }
0x28: {  	[tilespmem:s23+$0x10040] =	vst v0  }
0x29: {  	[tilespmem:s23+$0x10050] =	vst v0  }
0x2a: {  	[tilespmem:s23+$0x10060] =	vst v0;
	s23 =	sshra.s32 s24, $0x2;
	s24 =	sadd.s32 $0x200, s24  }
0x2b: {  	(xrf0) =	vmin.scan.msk.f32 $0xffff, v4  }
0x2c: {  	(xrf0) =	vmax.scan.msk.f32 $0xffff, v5;
	_ =	sdelay $0x4  }
0x2d: {  	v4, _, _ =	vpop (xrf0)  }
0x2e: {  	v5, _, _ =	vpop (xrf0)  }
0x2f: {  	v4 =	vbroadcast v4, $0xF;
	v5 =	vbroadcast v5, $0xF;
	_ =	sdelay $0x1  }
0x30: {  	v6 =	vsub.f32 v5, v4;
	_ =	sdelay $0x1  }
0x31: {  	v6 =	vmul.f32 v6, v1;
	_ =	sdelay $0x1  }
0x32: {  	vm1 =	veq.f32 v6, $0.0e+00  }
0x33: {  	v6 =	vsel vm1, $0x3F800000, v6  }
0x34: {  	(erf) = vrcp.f32 v6;
	_ =	sdelay $0x6  }
0x35: {  	[tilespmem:s23+$0x10070] =	vst v0  }
0x36: {  	[tilespmem:s23+$0x10000] =	vst v0  }
0x37: {  	[tilespmem:s23+$0x10010] =	vst v0;
	v6 =	vpop (erf)  }
0x38: {  	[tilespmem:s23+$0x10020] =	vst v0;
	v6 =	vmul.f32 $1.600000000e+01, v6  }
0x39: {  	[tilespmem:s23+$0x10030] =	vst v0  }
0x3a: {  	[tilespmem:s23+$0x10040] =	vst v0;
	v7 =	vmul.f32 v6, v4  }
0x3b: {  	[tilespmem:s23+$0x10050] =	vst v0  }
0x3c: {  	[tilespmem:s23+$0x10060] =	vst v0;
	s23 =	simm.s32 $0x0;
	v7 =	vsub.f32 $8.388608000e+06, v7  }
.LBB2_6:
0x3d: {  	s24 =	sshll.u32 s23, $0x10  }
0x3e: {  	s24 =	sadd.s32 s7, s24  }
0x3f: {  	s25 =	sshrl.u32 s24, $0x3  }
0x40: {  	s26 =	sadd.s32 s25, s9  }
0x41: {  	[tilespmem:s15], [sflag:$0x2] =	stream.linear.gather [hbm4b:s26+s4], $0x4000, $0x38;
	[tilespmem:$0x18480] =	vst v63  }
0x42: {  	s25 =	sadd.s32 s25, s10  }
0x43: {  	[tilespmem:s16], [sflag:$0x2] =	stream.linear.gather [hbm4b:s25+s4], $0x4000, $0x38;
	[tilespmem:$0x18480] =	vst v63  }
0x44: {  	_ =	swait.ge [sflag:s17], $0x8000  }
0x45: {  	[sflag:s17] =	ssyncset.done $0x0  }
0x46: {  	s31 =	simm.s32 $0x40;
	[sflag:s17] =	ssyncadd.s32 $0xFFFF8000  }
0x47: {  	v8 =	vld [tilespmem:s31+$0x20]  }
0x48: {  	v9 =	vld [tilespmem:s31+$0xFFFFFFD0];
	_ =	sdelay $0x1  }
0x49: {  	v11 =	vld [tilespmem:s31+$0x30]  }
0x4a: {  	v10 =	vld [tilespmem:s31+$0xFFFFFFC0]  }
0x4b: {  	v8 =	vmul.f32 v8, v6  }
0x4c: {  	v9 =	vmul.f32 v9, v6  }
0x4d: {  	v12 =	vld [tilespmem:s31+$0x10];
	v8 =	vadd.f32 v8, v7  }
0x4e: {  	v11 =	vmul.f32 v11, v6;
	v13 =	vadd.f32 v9, v7  }
0x4f: {  	v10 =	vmul.f32 v10, v6;
	v8 =	vand.u32 $0x7FFFF0, v8  }
0x50: {  	v15 =	vadd.f32 v11, v7;
	v14 =	vand.u32 $0x7FFFF0, v13;
	v13 =	vld [tilespmem:s31+$0x0];
	v11 =	vor.u32 v2, v8  }
0x51: {  	v10 =	vadd.f32 v10, v7  }
0x52: {  	v16 =	vmul.f32 v12, v6;
	v12 =	vld [tilespmem:s31+$0xFFFFFFE0]  }
0x53: {  	v9 =	vld [tilespmem:s31+$0xFFFFFFF0];
	v8 =	vand.u32 $0x7FFFF0, v10;
	v10 =	vor.u32 v2, v14  }
0x54: {  	s26 =	simm.s32 $0xC0;
	s25 =	simm.s32 $0x0;
	v14 =	vand.u32 $0x7FFFF0, v15;
	v15 =	vadd.f32 v16, v7;
	v8 =	vor.u32 v2, v8  }
.LBB2_7:
0x55: {  	s25 =	sadd.s32 $0x8, s25;
	v13 =	vmul.f32 v13, v6;
	[tilespmem:v11+s18+$0x0] =	vst.idx.add.f32.msk $0xffff, v3;
	v11 =	vor.u32 v2, v14  }
0x56: {  	v14 =	vld [tilespmem:s26+$0x20];
	p1 =	slt.u32 s25, $0x7F8;
	v15 =	vand.u32 $0x7FFFF0, v15  }
0x57: {  	v12 =	vmul.f32 v12, v6;
	v16 =	vld [tilespmem:s26+$0xFFFFFFD0];
	v13 =	vadd.f32 v13, v7;
	v15 =	vor.u32 v2, v15  }
0x58: {  	v9 =	vmul.f32 v9, v6;
	v17 =	vld [tilespmem:s26+$0x30]  }
0x59: {  	v12 =	vadd.f32 v12, v7;
	v18 =	vld [tilespmem:s26+$0xFFFFFFC0];
	v13 =	vand.u32 $0x7FFFF0, v13  }
0x5a: {  	v19 =	vadd.f32 v9, v7;
	v13 =	vor.u32 v2, v13;
	[tilespmem:v11+s18+$0x0] =	vst.idx.add.f32.msk $0xffff, v3  }
0x5b: {  	v12 =	vand.u32 $0x7FFFF0, v12;
	v9 =	vld [tilespmem:s26+$0xFFFFFFF0];
	v11 =	vmul.f32 v14, v6  }
0x5c: {  	v14 =	vor.u32 v2, v12;
	[tilespmem:v10+s18+$0x0] =	vst.idx.add.f32.msk $0xffff, v3;
	v10 =	vand.u32 $0x7FFFF0, v19  }
0x5d: {  	v12 =	vmul.f32 v16, v6;
	v16 =	vld [tilespmem:s26+$0x10];
	v11 =	vadd.f32 v11, v7;
	v19 =	vor.u32 v2, v10  }
0x5e: {  	v17 =	vmul.f32 v17, v6;
	v10 =	vmul.f32 v18, v6;
	[tilespmem:v15+s18+$0x0] =	vst.idx.add.f32.msk $0xffff, v3  }
0x5f: {  	v12 =	vadd.f32 v12, v7;
	v11 =	vand.u32 $0x7FFFF0, v11;
	[tilespmem:v13+s18+$0x0] =	vst.idx.add.f32.msk $0xffff, v3  }
.Ltmp2:
0x60: {  	v10 =	vadd.f32 v10, v7;
	v13 =	vld [tilespmem:s26+$0x0];
	v11 =	vor.u32 v2, v11;
	(pc) =	sbr.rel @p1 .LBB2_7-.Ltmp2, $4  }
0x61: {  	v17 =	vadd.f32 v17, v7;
	v15 =	vand.u32 $0x7FFFF0, v12;
	v12 =	vld [tilespmem:s26+$0xFFFFFFE0]  }
0x62: {  	v18 =	vand.u32 $0x7FFFF0, v10;
	v10 =	vor.u32 v2, v15;
	v15 =	vmul.f32 v16, v6;
	[tilespmem:v14+s18+$0x0] =	vst.idx.add.f32.msk $0xffff, v3  }
0x63: {  	v14 =	vand.u32 $0x7FFFF0, v17;
	[tilespmem:v8+s18+$0x0] =	vst.idx.add.f32.msk $0xffff, v3  }
0x64: {  	s26 =	sadd.s32 $0x80, s26;
	v8 =	vor.u32 v2, v18;
	v15 =	vadd.f32 v15, v7;
	[tilespmem:v19+s18+$0x0] =	vst.idx.add.f32.msk $0xffff, v3  }
0x65: {  	v13 =	vmul.f32 v13, v6  }
0x66: {  	v9 =	vmul.f32 v9, v6  }
0x67: {  	v12 =	vmul.f32 v12, v6;
	v13 =	vadd.f32 v13, v7  }
0x68: {  	v14 =	vor.u32 v2, v14;
	v15 =	vand.u32 $0x7FFFF0, v15;
	v9 =	vadd.f32 v9, v7  }
0x69: {  	v15 =	vor.u32 v2, v15;
	v12 =	vadd.f32 v12, v7;
	v13 =	vand.u32 $0x7FFFF0, v13  }
0x6a: {  	[tilespmem:v11+s18+$0x0] =	vst.idx.add.f32.msk $0xffff, v3;
	v9 =	vand.u32 $0x7FFFF0, v9;
	v13 =	vor.u32 v2, v13  }
0x6b: {  	[tilespmem:v10+s18+$0x0] =	vst.idx.add.f32.msk $0xffff, v3;
	v12 =	vand.u32 $0x7FFFF0, v12;
	v9 =	vor.u32 v2, v9  }
0x6c: {  	[tilespmem:v8+s18+$0x0] =	vst.idx.add.f32.msk $0xffff, v3;
	v11 =	vor.u32 v2, v12  }
0x6d: {  	[tilespmem:v14+s18+$0x0] =	vst.idx.add.f32.msk $0xffff, v3  }
0x6e: {  	p1 =	seq.s32 s23, $0xF;
	[tilespmem:v15+s18+$0x0] =	vst.idx.add.f32.msk $0xffff, v3  }
0x6f: {  	s24 =	sshrl.u32 @!p1 s24, $0x3;
	[tilespmem:v13+s18+$0x0] =	vst.idx.add.f32.msk $0xffff, v3  }
0x70: {  	s24 =	sadd.s32 @!p1 s2, s24;
	[tilespmem:v9+s18+$0x0] =	vst.idx.add.f32.msk $0xffff, v3  }
0x71: {  	s26 =	simm.s32 @!p1 $0x0;
	s25 =	sadd.s32 @!p1 $0x2000, s24;
	[tilespmem:v11+s18+$0x0] =	vst.idx.add.f32.msk $0xffff, v3  }
0x72: {  	[tilespmem:s26], [sflag:$0x1] =	stream.linear.gather @!p1 [hbm4b:s25+s26], $0x4000, $0x38;
	[tilespmem:$0x18480] =	vst v63  }
0x73: {  	s24 =	sadd.s32 @!p1 $0x2800, s24;
	s25 =	simm.s32 @!p1 $0x4000  }
0x74: {  	[tilespmem:s25], [sflag:$0x1] =	stream.linear.gather @!p1 [hbm4b:s24+s26], $0x4000, $0x38;
	[tilespmem:$0x18480] =	vst v63  }
0x75: {  	_ =	swait.ge [sflag:s19], $0x8000  }
0x76: {  	[sflag:s19] =	ssyncset.done $0x0  }
0x77: {  	s31 =	simm.s32 $0x8040;
	[sflag:s19] =	ssyncadd.s32 $0xFFFF8000  }
0x78: {  	v8 =	vld [tilespmem:s31+$0x20]  }
0x79: {  	v9 =	vld [tilespmem:s31+$0xFFFFFFD0];
	_ =	sdelay $0x1  }
0x7a: {  	v11 =	vld [tilespmem:s31+$0x30]  }
0x7b: {  	v10 =	vld [tilespmem:s31+$0xFFFFFFC0]  }
0x7c: {  	v8 =	vmul.f32 v8, v6  }
0x7d: {  	v9 =	vmul.f32 v9, v6  }
0x7e: {  	v12 =	vld [tilespmem:s31+$0x10];
	v8 =	vadd.f32 v8, v7  }
0x7f: {  	v11 =	vmul.f32 v11, v6;
	v13 =	vadd.f32 v9, v7  }
0x80: {  	v10 =	vmul.f32 v10, v6;
	v8 =	vand.u32 $0x7FFFF0, v8  }
0x81: {  	v15 =	vadd.f32 v11, v7;
	v14 =	vand.u32 $0x7FFFF0, v13;
	v13 =	vld [tilespmem:s31+$0x0];
	v11 =	vor.u32 v2, v8  }
0x82: {  	v10 =	vadd.f32 v10, v7  }
0x83: {  	v16 =	vmul.f32 v12, v6;
	v12 =	vld [tilespmem:s31+$0xFFFFFFE0]  }
0x84: {  	v9 =	vld [tilespmem:s31+$0xFFFFFFF0];
	v8 =	vand.u32 $0x7FFFF0, v10;
	v10 =	vor.u32 v2, v14  }
0x85: {  	s24 =	simm.s32 $0x0;
	s25 =	simm.s32 $0x80C0;
	v14 =	vand.u32 $0x7FFFF0, v15;
	v15 =	vadd.f32 v16, v7;
	v8 =	vor.u32 v2, v8  }
.LBB2_9:
0x86: {  	s24 =	sadd.s32 $0x8, s24;
	v13 =	vmul.f32 v13, v6;
	[tilespmem:v11+s18+$0x0] =	vst.idx.add.f32.msk $0xffff, v3;
	v11 =	vor.u32 v2, v14  }
0x87: {  	v14 =	vld [tilespmem:s25+$0x20];
	p1 =	slt.u32 s24, $0x7F8;
	v15 =	vand.u32 $0x7FFFF0, v15  }
0x88: {  	v12 =	vmul.f32 v12, v6;
	v16 =	vld [tilespmem:s25+$0xFFFFFFD0];
	v13 =	vadd.f32 v13, v7;
	v15 =	vor.u32 v2, v15  }
0x89: {  	v9 =	vmul.f32 v9, v6;
	v17 =	vld [tilespmem:s25+$0x30]  }
0x8a: {  	v12 =	vadd.f32 v12, v7;
	v18 =	vld [tilespmem:s25+$0xFFFFFFC0];
	v13 =	vand.u32 $0x7FFFF0, v13  }
0x8b: {  	v19 =	vadd.f32 v9, v7;
	v13 =	vor.u32 v2, v13;
	[tilespmem:v11+s18+$0x0] =	vst.idx.add.f32.msk $0xffff, v3  }
0x8c: {  	v12 =	vand.u32 $0x7FFFF0, v12;
	v9 =	vld [tilespmem:s25+$0xFFFFFFF0];
	v11 =	vmul.f32 v14, v6  }
0x8d: {  	v14 =	vor.u32 v2, v12;
	[tilespmem:v10+s18+$0x0] =	vst.idx.add.f32.msk $0xffff, v3;
	v10 =	vand.u32 $0x7FFFF0, v19  }
0x8e: {  	v12 =	vmul.f32 v16, v6;
	v16 =	vld [tilespmem:s25+$0x10];
	v11 =	vadd.f32 v11, v7;
	v19 =	vor.u32 v2, v10  }
0x8f: {  	v17 =	vmul.f32 v17, v6;
	v10 =	vmul.f32 v18, v6;
	[tilespmem:v15+s18+$0x0] =	vst.idx.add.f32.msk $0xffff, v3  }
0x90: {  	v12 =	vadd.f32 v12, v7;
	v11 =	vand.u32 $0x7FFFF0, v11;
	[tilespmem:v13+s18+$0x0] =	vst.idx.add.f32.msk $0xffff, v3  }
.Ltmp3:
0x91: {  	v10 =	vadd.f32 v10, v7;
	v13 =	vld [tilespmem:s25+$0x0];
	v11 =	vor.u32 v2, v11;
	(pc) =	sbr.rel @p1 .LBB2_9-.Ltmp3, $4  }
0x92: {  	v17 =	vadd.f32 v17, v7;
	v15 =	vand.u32 $0x7FFFF0, v12;
	v12 =	vld [tilespmem:s25+$0xFFFFFFE0]  }
0x93: {  	v18 =	vand.u32 $0x7FFFF0, v10;
	v10 =	vor.u32 v2, v15;
	v15 =	vmul.f32 v16, v6;
	[tilespmem:v14+s18+$0x0] =	vst.idx.add.f32.msk $0xffff, v3  }
0x94: {  	v14 =	vand.u32 $0x7FFFF0, v17;
	[tilespmem:v8+s18+$0x0] =	vst.idx.add.f32.msk $0xffff, v3  }
0x95: {  	s25 =	sadd.s32 $0x80, s25;
	v8 =	vor.u32 v2, v18;
	v15 =	vadd.f32 v15, v7;
	[tilespmem:v19+s18+$0x0] =	vst.idx.add.f32.msk $0xffff, v3  }
0x96: {  	v13 =	vmul.f32 v13, v6  }
0x97: {  	v9 =	vmul.f32 v9, v6  }
0x98: {  	v12 =	vmul.f32 v12, v6;
	v13 =	vadd.f32 v13, v7  }
0x99: {  	v14 =	vor.u32 v2, v14;
	v15 =	vand.u32 $0x7FFFF0, v15;
	v9 =	vadd.f32 v9, v7  }
0x9a: {  	v15 =	vor.u32 v2, v15;
	v12 =	vadd.f32 v12, v7;
	v13 =	vand.u32 $0x7FFFF0, v13  }
0x9b: {  	[tilespmem:v11+s18+$0x0] =	vst.idx.add.f32.msk $0xffff, v3;
	v9 =	vand.u32 $0x7FFFF0, v9;
	v13 =	vor.u32 v2, v13  }
0x9c: {  	[tilespmem:v10+s18+$0x0] =	vst.idx.add.f32.msk $0xffff, v3;
	s23 =	sadd.s32 $0x1, s23;
	v12 =	vand.u32 $0x7FFFF0, v12;
	v9 =	vor.u32 v2, v9  }
0x9d: {  	[tilespmem:v8+s18+$0x0] =	vst.idx.add.f32.msk $0xffff, v3;
	p1 =	sne.s32 s23, $0x10;
	v63 =	vor.u32 v2, v12  }
.Ltmp4:
0x9e: {  	[tilespmem:v14+s18+$0x0] =	vst.idx.add.f32.msk $0xffff, v3;
	(pc) =	sbr.rel @p1 .LBB2_6-.Ltmp4, $4  }
0x9f: {  	[tilespmem:v15+s18+$0x0] =	vst.idx.add.f32.msk $0xffff, v3  }
0xa0: {  	[tilespmem:v13+s18+$0x0] =	vst.idx.add.f32.msk $0xffff, v3  }
0xa1: {  	[tilespmem:v9+s18+$0x0] =	vst.idx.add.f32.msk $0xffff, v3  }
0xa2: {  	[tilespmem:v63+s18+$0x0] =	vst.idx.add.f32.msk $0xffff, v3  }
0xa3: {  	[hbm4b:s11+s20] =	stream.strided.scatter [tilespmem:s18], [sflag:$0x3], $0x8080, s21, s20, $0x38;
	[tilespmem:$0x18480] =	vst v63  }
0xa4: {  	_ =	swait.ge [sflag:s14], $0x8080  }
0xa5: {  	[sflag:s14] =	ssyncset.done $0x0  }
0xa6: {  	v4 =	vsel @!p0 vm0, v4, v5;
	s22 =	sadd.s32 $0x1, s22;
	[sflag:s14] =	ssyncadd.s32 $0xFFFF7F80  }
0xa7: {  	s23 =	simm.s32 @!p0 $0x0;
	s24 =	simm.s32 @!p0 $0x18080;
	p1 =	sne.s32 s22, s12;
	[tilespmem:$0x18080] =	vst @!p0 v4  }
0xa8: {  	[hbm4b:s5+s23] =	stream.linear.scatter @!p0 [tilespmem:s24], [sflag:$0x3], $0x10, $0x38;
	[tilespmem:$0x18480] =	vst v63  }
.Ltmp5:
0xa9: {  	_ = 	snop;
	(pc) =	sbr.rel @p1 .LBB2_1-.Ltmp5, $4  }
0xaa: {  	s23 =	simm.s32 @!p0 $0x3  }
0xab: {  	_ =	swait.ge @!p0 [sflag:s23], $0x10  }
0xac: {  	[sflag:s23] =	ssyncset.done @!p0 $0x0  }
0xad: {  	[sflag:s23] =	ssyncadd.s32 @!p0 $0xFFFFFFF0  }
0xae: {  	_ =	sfence.sel $0x180000  }
0xaf: {  	[bflag:$0x0] =	sbarrier.arrive $0xFFFF  }
0xb0: {  	p0 =	sne.s32 s1, $0x0;
	_ =	strace $0x9000004A  }
0xb1: {  	s0 =	sadd.s32 @!p0 $0x100000, s0;
	[bflag:$0x2] =	sbarrier.arrive $0xFFFF  }
0xb2: {  	[sflag:s0] =	ssyncadd.tile.s32 @!p0 $0x1;
	_ =	shalt  }
.Lfunc_end2:
_tile_overlayer_lowered:
.L_overlay_start_2:
0xb3: {  	(tag) =	ssettag $0x2  }
0xb4: {  	s0 =	rddreg [dreg:$0x0];
	s2 =	stileid.u32  }
0xb5: {  	s1 =	rddreg [dreg:$0x1];
	p0 =	sne.s32 s2, $0x0  }
0xb6: {  	s3 =	rddreg [dreg:$0x2];
	[bflag:$0x3] =	sbarrier.arrive $0xFFFF;
	s2 =	simm.s32 @!p0 $0x1C03  }
0xb7: {  	[timem:s3], [sflag:s2] =	dma.local @!p0 [hbm:s0], s1  }
0xb8: {  	s0 =	simm.s32 @!p0 $0x3  }
0xb9: {  	_ =	swait.ge @!p0 [sflag:s0], s1  }
0xba: {  	s1 =	ssub.s32 @!p0 $0x0, s1;
	[sflag:s0] =	ssyncset.done @!p0 $0x0  }
0xbb: {  	[sflag:s0] =	ssyncadd.s32 @!p0 s1  }
0xbc: {  	[bflag:$0x3] =	sbarrier.arrive $0xFFFF  }
0xbd: {  	_ =	shalt  }

</sc_bundles>
